<compile_context>
chip_gen: v7x
topology: tpu7x:2x2x1
jax: 0.10.2.dev20260603
libtpu: 0.0.44.dev20260713+nightly
codegen_flags: <defaults>
</compile_context>

<pallas_src>
import jax
import jax.numpy as jnp
from jax import lax
from jax.experimental import pallas as pl
from jax.experimental.pallas import tpu as pltpu
from jax.experimental.pallas import tpu_sc as plsc

N_NODES = 10000
N_EDGES = 320000
D = 128
RRELU_SLOPE = (1.0 / 8.0 + 1.0 / 3.0) / 2.0

NUM_CORES = 2
NUM_SUBCORES = 16
TILE_ROW_BASE = 624
TILE_ROW_SPAN = 640
UNIT = 128
N_UNITS = N_EDGES // UNIT
BATCH = 16
NPAR = 3
PAD_ROWS = 2528


def _sc_body(src2d, dst2d, nf, ef, g_out, e_out, cnt_out,
             sidxb, didxb, rows, ones, zbuf, acc, cnt_sh,
             semf0, semf1, sems, semc, semi):
  cid = lax.axis_index("c")
  sid = lax.axis_index("s")

  zero16 = jnp.zeros((16,), jnp.float32)
  one16 = jnp.ones((16,), jnp.float32)

  def _zero_rows(i, carry):
    for k in range(8):
      rows[0, i, pl.ds(k * 16, 16)] = zero16
    return carry
  lax.fori_loop(0, UNIT, _zero_rows, 0)

  def _zero_z(i, carry):
    zbuf[pl.ds(i * 16, 16)] = zero16
    return carry
  lax.fori_loop(0, TILE_ROW_SPAN // 16, _zero_z, 0)

  for k in range(8):
    ones[pl.ds(k * 16, 16)] = one16

  abase = sid * TILE_ROW_BASE
  for off in range(0, TILE_ROW_SPAN, UNIT):
    pltpu.sync_copy(rows.at[0, pl.ds(0, UNIT)],
                    acc.at[pl.ds(abase + off, UNIT)])
  pltpu.sync_copy(zbuf, cnt_sh.at[pl.ds(abase, TILE_ROW_SPAN)])

  plsc.subcore_barrier()

  u0 = (N_UNITS * sid) // NUM_SUBCORES
  u1 = (N_UNITS * (sid + 1)) // NUM_SUBCORES
  n_units = u1 - u0

  def _drain_cnt():
    pltpu.make_async_copy(zbuf.at[pl.ds(0, UNIT)],
                          cnt_sh.at[pl.ds(0, UNIT)], semc).wait()

  def _drain_rows(sem):
    pltpu.make_async_copy(rows.at[0], acc.at[pl.ds(0, UNIT)], sem).wait()

  def _wait_fill(i):
    @pl.when(lax.rem(i, 2) == 0)
    def _():
      _drain_rows(semf0)

    @pl.when(lax.rem(i, 2) == 1)
    def _():
      _drain_rows(semf1)

  def _issue_scatter(i):
    slot = lax.rem(i, 2)
    p = lax.rem(i // BATCH, NPAR)
    r = lax.rem(i, BATCH)

    pltpu.async_copy(rows.at[slot], acc.at[didxb.at[p, r]], sems,
                     add=True)

    @pl.when(cid == 1)
    def _():
      pltpu.async_copy(ones, cnt_sh.at[didxb.at[p, r]], semc, add=True)

  def _prefetch(b):
    pn = lax.rem(b, NPAR)
    ub = u0 + b * BATCH
    pltpu.async_copy(dst2d.at[pl.ds(ub, BATCH)], didxb.at[pn], semi)

    @pl.when(cid == 0)
    def _():
      pltpu.async_copy(src2d.at[pl.ds(ub, BATCH)], sidxb.at[pn], semi)

  def _wait_prefetch():
    pltpu.make_async_copy(dst2d.at[pl.ds(0, BATCH)], didxb.at[0],
                          semi).wait()

    @pl.when(cid == 0)
    def _():
      pltpu.make_async_copy(src2d.at[pl.ds(0, BATCH)], sidxb.at[0],
                            semi).wait()

  pltpu.sync_copy(dst2d.at[pl.ds(u0, BATCH)], didxb.at[0])

  @pl.when(cid == 0)
  def _():
    pltpu.sync_copy(src2d.at[pl.ds(u0, BATCH)], sidxb.at[0])

  _prefetch(1)

  def _unit(i, carry):
    slot = lax.rem(i, 2)
    p = lax.rem(i // BATCH, NPAR)
    r = lax.rem(i, BATCH)
    u = u0 + i

    @pl.when(i > 1)
    def _():
      _drain_rows(sems)

      @pl.when(cid == 1)
      def _():
        _drain_cnt()

    @pl.when(jnp.logical_and(r == 0, i > 0))
    def _():
      _wait_prefetch()
      _prefetch(i // BATCH + 1)

    @pl.when(jnp.logical_and(cid == 0, slot == 0))
    def _():
      pltpu.async_copy(nf.at[sidxb.at[p, r]], rows.at[0], semf0)

    @pl.when(jnp.logical_and(cid == 0, slot == 1))
    def _():
      pltpu.async_copy(nf.at[sidxb.at[p, r]], rows.at[1], semf1)

    @pl.when(jnp.logical_and(cid == 1, slot == 0))
    def _():
      pltpu.async_copy(ef.at[pl.ds(u * UNIT, UNIT)], rows.at[0], semf0)

    @pl.when(jnp.logical_and(cid == 1, slot == 1))
    def _():
      pltpu.async_copy(ef.at[pl.ds(u * UNIT, UNIT)], rows.at[1], semf1)

    @pl.when(i > 0)
    def _():
      _wait_fill(i - 1)
      _issue_scatter(i - 1)

    return carry

  lax.fori_loop(0, n_units, _unit, 0)

  _wait_fill(n_units - 1)
  _issue_scatter(n_units - 1)
  _drain_rows(sems)
  _drain_rows(sems)
  _wait_prefetch()

  @pl.when(cid == 1)
  def _():
    _drain_cnt()
    _drain_cnt()

  plsc.subcore_barrier()

  @pl.when(cid == 0)
  def _out_g():
    pltpu.sync_copy(acc.at[pl.ds(abase, TILE_ROW_SPAN)],
                    g_out.at[pl.ds(abase, TILE_ROW_SPAN)])

  @pl.when(cid == 1)
  def _out_e():
    pltpu.sync_copy(acc.at[pl.ds(abase, TILE_ROW_SPAN)],
                    e_out.at[pl.ds(abase, TILE_ROW_SPAN)])
    pltpu.sync_copy(cnt_sh.at[pl.ds(abase, TILE_ROW_SPAN)], zbuf)
    pltpu.sync_copy(zbuf, cnt_out.at[pl.ds(abase, TILE_ROW_SPAN)])


def _segment_sums(src2d, dst2d, node_feats, edge_feats):
  mesh = plsc.VectorSubcoreMesh(
      core_axis_name="c", subcore_axis_name="s",
      num_cores=NUM_CORES, num_subcores=NUM_SUBCORES)
  f = pl.kernel(
      _sc_body,
      out_type=[
          jax.ShapeDtypeStruct((N_NODES, D), jnp.float32),
          jax.ShapeDtypeStruct((N_NODES, D), jnp.float32),
          jax.ShapeDtypeStruct((N_NODES,), jnp.float32),
      ],
      mesh=mesh,
      scratch_types=[
          pltpu.VMEM((NPAR, BATCH, 128), jnp.int32),
          pltpu.VMEM((NPAR, BATCH, 128), jnp.int32),
          pltpu.VMEM((2, UNIT, D), jnp.float32),
          pltpu.VMEM((128,), jnp.float32),
          pltpu.VMEM((TILE_ROW_SPAN,), jnp.float32),
          pltpu.VMEM_SHARED((N_NODES, D), jnp.float32),
          pltpu.VMEM_SHARED((N_NODES,), jnp.float32),
          pltpu.SemaphoreType.DMA,
          pltpu.SemaphoreType.DMA,
          pltpu.SemaphoreType.DMA,
          pltpu.SemaphoreType.DMA,
          pltpu.SemaphoreType.DMA,
      ],
      compiler_params=pltpu.CompilerParams(use_tc_tiling_on_sc=False),
  )
  return f(src2d, dst2d, node_feats, edge_feats)


def _matmul_nt(x, w):
  return lax.dot_general(x, w, (((1,), (1,)), ((), ())),
                         preferred_element_type=jnp.float32)


def _tail_body(g_ref, e_ref, cntp_ref, w1_ref, w2_ref,
               b1_ref, b2_ref, out_ref):
  cnt = cntp_ref[...][:, 0]
  ms = (_matmul_nt(g_ref[...], w1_ref[:, :D])
        + _matmul_nt(e_ref[...], w1_ref[:, D:])
        + cnt[:, None] * b1_ref[...])
  nm = ms / jnp.maximum(cnt, 1.0)[:, None]
  sm = _matmul_nt(nm, w2_ref[...]) + b2_ref[...]
  o = nm + sm
  out_ref[...] = jnp.where(o >= 0, o, o * RRELU_SLOPE)


def _tail(g, e, cntp, w1, w2, b1, b2):
  blk = 2000
  grid = (N_NODES // blk,)
  return pl.pallas_call(
      _tail_body,
      grid=grid,
      in_specs=[
          pl.BlockSpec((blk, D), lambda i: (i, 0)),
          pl.BlockSpec((blk, D), lambda i: (i, 0)),
          pl.BlockSpec((blk, 1), lambda i: (i, 0)),
          pl.BlockSpec((D, 2 * D), lambda i: (0, 0)),
          pl.BlockSpec((D, D), lambda i: (0, 0)),
          pl.BlockSpec((1, D), lambda i: (0, 0)),
          pl.BlockSpec((1, D), lambda i: (0, 0)),
      ],
      out_specs=pl.BlockSpec((blk, D), lambda i: (i, 0)),
      out_shape=jax.ShapeDtypeStruct((N_NODES, D), jnp.float32),
  )(g, e, cntp, w1, w2, b1, b2)


@jax.jit
def kernel(node_feats, edge_feats, edge_index, W1, b1, W2, b2):
  pad = PAD_ROWS * 128 - N_EDGES
  src2d = jnp.pad(edge_index[0].astype(jnp.int32),
                  (0, pad)).reshape(PAD_ROWS, 128)
  dst2d = jnp.pad(edge_index[1].astype(jnp.int32),
                  (0, pad)).reshape(PAD_ROWS, 128)
  g, e, cnt = _segment_sums(src2d, dst2d, node_feats, edge_feats)
  cntp = cnt.reshape(N_NODES, 1)
  return _tail(g, e, cntp, W1, W2,
               b1.reshape(1, D), b2.reshape(1, D))

# --- scband reference (transcript-rebuilt; emitter-appended) ---
"""Pipeline reference for scband-multi-rel-graph-layer-23862838297344 (READ-ONLY COPY).

The authoritative reference and input builder live on the scoring server;
editing this copy changes nothing except your own understanding.
"""

import jax, jax.numpy as jnp
import numpy as np

N_NODES = 10000
N_EDGES = 320000
D_IN = 128
D_HID = 128
# Eval-mode RReLU negative slope = (lower + upper) / 2 = (1/8 + 1/3) / 2
RRELU_SLOPE = (1.0 / 8.0 + 1.0 / 3.0) / 2.0


def setup_inputs(seed: int = 0) -> dict:
    key = jax.random.key(seed)
    k1, k2, k3, k4, k5, k6, k7 = jax.random.split(key, 7)
    node_feats = jax.random.normal(k1, (N_NODES, D_IN), dtype=jnp.float32)
    edge_feats = jax.random.normal(k2, (N_EDGES, D_IN), dtype=jnp.float32)
    edge_index = jax.random.randint(k3, (2, N_EDGES), 0, N_NODES, dtype=jnp.int64)
    # Linear params (torch convention: y = x @ W.T + b)
    s1 = 1.0 / np.sqrt(2 * D_IN)
    W1 = jax.random.uniform(k4, (D_HID, 2 * D_IN), dtype=jnp.float32, minval=-s1, maxval=s1)
    b1 = jax.random.uniform(k5, (D_HID,), dtype=jnp.float32, minval=-s1, maxval=s1)
    s2 = 1.0 / np.sqrt(D_IN)
    W2 = jax.random.uniform(k6, (D_HID, D_IN), dtype=jnp.float32, minval=-s2, maxval=s2)
    b2 = jax.random.uniform(k7, (D_HID,), dtype=jnp.float32, minval=-s2, maxval=s2)
    return {"node_feats": node_feats, "edge_feats": edge_feats, "edge_index": edge_index,
            "W1": W1, "b1": b1, "W2": W2, "b2": b2}


def reference(node_feats, edge_feats, edge_index, W1, b1, W2, b2):
    # dropout p=0.0 -> identity
    src = edge_index[0]
    dst = edge_index[1]
    # message_fn: linear1(cat(src_h, edge_h))
    msg_inp = jnp.concatenate([jnp.take(node_feats, src, axis=0), edge_feats], axis=-1)
    msg = msg_inp @ W1.T + b1
    # dgl.function.mean over incoming edges; nodes with no in-edges get 0
    n = node_feats.shape[0]
    msg_sum = jax.ops.segment_sum(msg, dst, num_segments=n)
    cnt = jax.ops.segment_sum(jnp.ones((msg.shape[0],), dtype=msg.dtype), dst, num_segments=n)
    node_msg = msg_sum / jnp.maximum(cnt, 1.0)[:, None]
    # self message + residual
    self_msg = node_msg @ W2.T + b2
    out_pre = node_msg + self_msg
    # RReLU (eval mode) = leaky relu with slope (lower+upper)/2
    return jnp.where(out_pre >= 0, out_pre, out_pre * RRELU_SLOPE)

if __name__ == "__main__":
    import jax
    _d = setup_inputs()
    print(jax.jit(kernel)(*tuple(_d.values())))

</pallas_src>

<mosaic_0001>
#map = affine_map<(d0, d1) -> (0, 0)>
#map1 = affine_map<(d0, d1) -> (0)>
module attributes {stable_mosaic.version = 14 : i64} {
  func.func @_sc_body(%arg0: i32, %arg1: i32, %arg2: memref<2528x128xi32, #tpu.memory_space<hbm>>, %arg3: memref<2528x128xi32, #tpu.memory_space<hbm>>, %arg4: memref<10000x128xf32, #tpu.memory_space<hbm>>, %arg5: memref<320000x128xf32, #tpu.memory_space<hbm>>, %arg6: memref<10000x128xf32, #tpu.memory_space<hbm>>, %arg7: memref<10000x128xf32, #tpu.memory_space<hbm>>, %arg8: memref<10000xf32, #tpu.memory_space<hbm>>, %arg9: memref<3x16x128xi32, #tpu.memory_space<vmem>>, %arg10: memref<3x16x128xi32, #tpu.memory_space<vmem>>, %arg11: memref<2x128x128xf32, #tpu.memory_space<vmem>>, %arg12: memref<128xf32, #tpu.memory_space<vmem>>, %arg13: memref<640xf32, #tpu.memory_space<vmem>>, %arg14: memref<10000x128xf32, #tpu.memory_space<vmem_shared>>, %arg15: memref<10000xf32, #tpu.memory_space<vmem_shared>>, %arg16: memref<!tpu.dma_semaphore, #tpu.memory_space<semaphore_mem>>, %arg17: memref<!tpu.dma_semaphore, #tpu.memory_space<semaphore_mem>>, %arg18: memref<!tpu.dma_semaphore, #tpu.memory_space<semaphore_mem>>, %arg19: memref<!tpu.dma_semaphore, #tpu.memory_space<semaphore_mem>>, %arg20: memref<!tpu.dma_semaphore, #tpu.memory_space<semaphore_mem>>) attributes {dimension_semantics = [#tpu.dimension_semantics<core_parallel>, #tpu.dimension_semantics<subcore_parallel>], iteration_bounds = array<i64: 2, 16>, scalar_prefetch = 0 : i64, scratch_operands = 12 : i64, tpu.core_type = #tpu.core_type<sc_vector_subcore>, window_params = [{transform_indices = #map}, {transform_indices = #map}, {transform_indices = #map}, {transform_indices = #map}, {transform_indices = #map}, {transform_indices = #map}, {transform_indices = #map1}]} {
    %broadcast_in_dim3A = arith.constant 0.000000e+00 : f32
    %broadcast_in_dim3A_0 = vector.broadcast %broadcast_in_dim3A : f32 to vector<16xf32>
    %broadcast_in_dim3A_1 = arith.constant 1.000000e+00 : f32
    %broadcast_in_dim3A_2 = vector.broadcast %broadcast_in_dim3A_1 : f32 to vector<16xf32>
    %scan3A = arith.constant 0 : i32
    %scan3A_3 = arith.constant 0 : i32
    %scan3A_4 = arith.constant 128 : i32
    %scan3A_5 = arith.addi %scan3A_3, %scan3A_4 : i32
    %scan3A_6 = arith.constant 1 : i32
    scf.for %scan3A_267 = %scan3A_3 to %scan3A_5 step %scan3A_6  : i32 {
      %swap3A_268 = arith.constant 0 : i32
      %swap3A_269 = arith.index_cast %swap3A_268 : i32 to index
      %swap3A_270 = arith.index_cast %scan3A_267 : i32 to index
      %swap3A_271 = arith.constant 0 : index
      %swap3A_272 = tpu.vector_load %arg11[%swap3A_269, %swap3A_270, %swap3A_271] {strides = array<i32>} : memref<2x128x128xf32, #tpu.memory_space<vmem>>, vector<1x1x16xf32>,
      %swap3A_273 = vector.shape_cast %swap3A_272 : vector<1x1x16xf32> to vector<16xf32>
      %swap3A_274 = vector.shape_cast %broadcast_in_dim3A_0 : vector<16xf32> to vector<1x1x16xf32>
      tpu.vector_store %arg11[%swap3A_269, %swap3A_270, %swap3A_271], %swap3A_274 {strides = array<i32>} : memref<2x128x128xf32, #tpu.memory_space<vmem>>, vector<1x1x16xf32>,
      %swap3A_275 = arith.constant 0 : i32
      %swap3A_276 = arith.index_cast %swap3A_275 : i32 to index
      %swap3A_277 = arith.index_cast %scan3A_267 : i32 to index
      %swap3A_278 = arith.constant 16 : index
      %swap3A_279 = tpu.vector_load %arg11[%swap3A_276, %swap3A_277, %swap3A_278] {strides = array<i32>} : memref<2x128x128xf32, #tpu.memory_space<vmem>>, vector<1x1x16xf32>,
      %swap3A_280 = vector.shape_cast %swap3A_279 : vector<1x1x16xf32> to vector<16xf32>
      %swap3A_281 = vector.shape_cast %broadcast_in_dim3A_0 : vector<16xf32> to vector<1x1x16xf32>
      tpu.vector_store %arg11[%swap3A_276, %swap3A_277, %swap3A_278], %swap3A_281 {strides = array<i32>} : memref<2x128x128xf32, #tpu.memory_space<vmem>>, vector<1x1x16xf32>,
      %swap3A_282 = arith.constant 0 : i32
      %swap3A_283 = arith.index_cast %swap3A_282 : i32 to index
      %swap3A_284 = arith.index_cast %scan3A_267 : i32 to index
      %swap3A_285 = arith.constant 32 : index
      %swap3A_286 = tpu.vector_load %arg11[%swap3A_283, %swap3A_284, %swap3A_285] {strides = array<i32>} : memref<2x128x128xf32, #tpu.memory_space<vmem>>, vector<1x1x16xf32>,
      %swap3A_287 = vector.shape_cast %swap3A_286 : vector<1x1x16xf32> to vector<16xf32>
      %swap3A_288 = vector.shape_cast %broadcast_in_dim3A_0 : vector<16xf32> to vector<1x1x16xf32>
      tpu.vector_store %arg11[%swap3A_283, %swap3A_284, %swap3A_285], %swap3A_288 {strides = array<i32>} : memref<2x128x128xf32, #tpu.memory_space<vmem>>, vector<1x1x16xf32>,
      %swap3A_289 = arith.constant 0 : i32
      %swap3A_290 = arith.index_cast %swap3A_289 : i32 to index
      %swap3A_291 = arith.index_cast %scan3A_267 : i32 to index
      %swap3A_292 = arith.constant 48 : index
      %swap3A_293 = tpu.vector_load %arg11[%swap3A_290, %swap3A_291, %swap3A_292] {strides = array<i32>} : memref<2x128x128xf32, #tpu.memory_space<vmem>>, vector<1x1x16xf32>,
      %swap3A_294 = vector.shape_cast %swap3A_293 : vector<1x1x16xf32> to vector<16xf32>
      %swap3A_295 = vector.shape_cast %broadcast_in_dim3A_0 : vector<16xf32> to vector<1x1x16xf32>
      tpu.vector_store %arg11[%swap3A_290, %swap3A_291, %swap3A_292], %swap3A_295 {strides = array<i32>} : memref<2x128x128xf32, #tpu.memory_space<vmem>>, vector<1x1x16xf32>,
      %swap3A_296 = arith.constant 0 : i32
      %swap3A_297 = arith.index_cast %swap3A_296 : i32 to index
      %swap3A_298 = arith.index_cast %scan3A_267 : i32 to index
      %swap3A_299 = arith.constant 64 : index
      %swap3A_300 = tpu.vector_load %arg11[%swap3A_297, %swap3A_298, %swap3A_299] {strides = array<i32>} : memref<2x128x128xf32, #tpu.memory_space<vmem>>, vector<1x1x16xf32>,
      %swap3A_301 = vector.shape_cast %swap3A_300 : vector<1x1x16xf32> to vector<16xf32>
      %swap3A_302 = vector.shape_cast %broadcast_in_dim3A_0 : vector<16xf32> to vector<1x1x16xf32>
      tpu.vector_store %arg11[%swap3A_297, %swap3A_298, %swap3A_299], %swap3A_302 {strides = array<i32>} : memref<2x128x128xf32, #tpu.memory_space<vmem>>, vector<1x1x16xf32>,
      %swap3A_303 = arith.constant 0 : i32
      %swap3A_304 = arith.index_cast %swap3A_303 : i32 to index
      %swap3A_305 = arith.index_cast %scan3A_267 : i32 to index
      %swap3A_306 = arith.constant 80 : index
      %swap3A_307 = tpu.vector_load %arg11[%swap3A_304, %swap3A_305, %swap3A_306] {strides = array<i32>} : memref<2x128x128xf32, #tpu.memory_space<vmem>>, vector<1x1x16xf32>,
      %swap3A_308 = vector.shape_cast %swap3A_307 : vector<1x1x16xf32> to vector<16xf32>
      %swap3A_309 = vector.shape_cast %broadcast_in_dim3A_0 : vector<16xf32> to vector<1x1x16xf32>
      tpu.vector_store %arg11[%swap3A_304, %swap3A_305, %swap3A_306], %swap3A_309 {strides = array<i32>} : memref<2x128x128xf32, #tpu.memory_space<vmem>>, vector<1x1x16xf32>,
      %swap3A_310 = arith.constant 0 : i32
      %swap3A_311 = arith.index_cast %swap3A_310 : i32 to index
      %swap3A_312 = arith.index_cast %scan3A_267 : i32 to index
      %swap3A_313 = arith.constant 96 : index
      %swap3A_314 = tpu.vector_load %arg11[%swap3A_311, %swap3A_312, %swap3A_313] {strides = array<i32>} : memref<2x128x128xf32, #tpu.memory_space<vmem>>, vector<1x1x16xf32>,
      %swap3A_315 = vector.shape_cast %swap3A_314 : vector<1x1x16xf32> to vector<16xf32>
      %swap3A_316 = vector.shape_cast %broadcast_in_dim3A_0 : vector<16xf32> to vector<1x1x16xf32>
      tpu.vector_store %arg11[%swap3A_311, %swap3A_312, %swap3A_313], %swap3A_316 {strides = array<i32>} : memref<2x128x128xf32, #tpu.memory_space<vmem>>, vector<1x1x16xf32>,
      %swap3A_317 = arith.constant 0 : i32
      %swap3A_318 = arith.index_cast %swap3A_317 : i32 to index
      %swap3A_319 = arith.index_cast %scan3A_267 : i32 to index
      %swap3A_320 = arith.constant 112 : index
      %swap3A_321 = tpu.vector_load %arg11[%swap3A_318, %swap3A_319, %swap3A_320] {strides = array<i32>} : memref<2x128x128xf32, #tpu.memory_space<vmem>>, vector<1x1x16xf32>,
      %swap3A_322 = vector.shape_cast %swap3A_321 : vector<1x1x16xf32> to vector<16xf32>
      %swap3A_323 = vector.shape_cast %broadcast_in_dim3A_0 : vector<16xf32> to vector<1x1x16xf32>
      tpu.vector_store %arg11[%swap3A_318, %swap3A_319, %swap3A_320], %swap3A_323 {strides = array<i32>} : memref<2x128x128xf32, #tpu.memory_space<vmem>>, vector<1x1x16xf32>,
    }
    %scan3A_7 = arith.constant 128 : i32
    %scan3A_8 = arith.constant 0 : i32
    %scan3A_9 = arith.constant 0 : i32
    %scan3A_10 = arith.constant 40 : i32
    %scan3A_11 = arith.addi %scan3A_9, %scan3A_10 : i32
    %scan3A_12 = arith.constant 1 : i32
    scf.for %scan3A_267 = %scan3A_9 to %scan3A_11 step %scan3A_12  : i32 {
      %mul3A_268 = arith.constant 16 : i32
      %mul3A_269 = arith.muli %scan3A_267, %mul3A_268 : i32
      %swap3A_270 = arith.index_cast %mul3A_269 : i32 to index
      %swap3A_271 = tpu.vector_load %arg13[%swap3A_270] {strides = array<i32>} : memref<640xf32, #tpu.memory_space<vmem>>, vector<16xf32>,
      %swap3A_272 = vector.shape_cast %swap3A_271 : vector<16xf32> to vector<16xf32>
      %swap3A_273 = vector.shape_cast %broadcast_in_dim3A_0 : vector<16xf32> to vector<16xf32>
      tpu.vector_store %arg13[%swap3A_270], %swap3A_273 {strides = array<i32>} : memref<640xf32, #tpu.memory_space<vmem>>, vector<16xf32>,
    }
    %scan3A_13 = arith.constant 40 : i32
    %swap3A = arith.constant 0 : index
    %swap3A_14 = tpu.vector_load %arg12[%swap3A] {strides = array<i32>} : memref<128xf32, #tpu.memory_space<vmem>>, vector<16xf32>,
    %swap3A_15 = vector.shape_cast %swap3A_14 : vector<16xf32> to vector<16xf32>
    %swap3A_16 = vector.shape_cast %broadcast_in_dim3A_2 : vector<16xf32> to vector<16xf32>
    tpu.vector_store %arg12[%swap3A], %swap3A_16 {strides = array<i32>} : memref<128xf32, #tpu.memory_space<vmem>>, vector<16xf32>,
    %swap3A_17 = arith.constant 16 : index
    %swap3A_18 = tpu.vector_load %arg12[%swap3A_17] {strides = array<i32>} : memref<128xf32, #tpu.memory_space<vmem>>, vector<16xf32>,
    %swap3A_19 = vector.shape_cast %swap3A_18 : vector<16xf32> to vector<16xf32>
    %swap3A_20 = vector.shape_cast %broadcast_in_dim3A_2 : vector<16xf32> to vector<16xf32>
    tpu.vector_store %arg12[%swap3A_17], %swap3A_20 {strides = array<i32>} : memref<128xf32, #tpu.memory_space<vmem>>, vector<16xf32>,
    %swap3A_21 = arith.constant 32 : index
    %swap3A_22 = tpu.vector_load %arg12[%swap3A_21] {strides = array<i32>} : memref<128xf32, #tpu.memory_space<vmem>>, vector<16xf32>,
    %swap3A_23 = vector.shape_cast %swap3A_22 : vector<16xf32> to vector<16xf32>
    %swap3A_24 = vector.shape_cast %broadcast_in_dim3A_2 : vector<16xf32> to vector<16xf32>
    tpu.vector_store %arg12[%swap3A_21], %swap3A_24 {strides = array<i32>} : memref<128xf32, #tpu.memory_space<vmem>>, vector<16xf32>,
    %swap3A_25 = arith.constant 48 : index
    %swap3A_26 = tpu.vector_load %arg12[%swap3A_25] {strides = array<i32>} : memref<128xf32, #tpu.memory_space<vmem>>, vector<16xf32>,
    %swap3A_27 = vector.shape_cast %swap3A_26 : vector<16xf32> to vector<16xf32>
    %swap3A_28 = vector.shape_cast %broadcast_in_dim3A_2 : vector<16xf32> to vector<16xf32>
    tpu.vector_store %arg12[%swap3A_25], %swap3A_28 {strides = array<i32>} : memref<128xf32, #tpu.memory_space<vmem>>, vector<16xf32>,
    %swap3A_29 = arith.constant 64 : index
    %swap3A_30 = tpu.vector_load %arg12[%swap3A_29] {strides = array<i32>} : memref<128xf32, #tpu.memory_space<vmem>>, vector<16xf32>,
    %swap3A_31 = vector.shape_cast %swap3A_30 : vector<16xf32> to vector<16xf32>
    %swap3A_32 = vector.shape_cast %broadcast_in_dim3A_2 : vector<16xf32> to vector<16xf32>
    tpu.vector_store %arg12[%swap3A_29], %swap3A_32 {strides = array<i32>} : memref<128xf32, #tpu.memory_space<vmem>>, vector<16xf32>,
    %swap3A_33 = arith.constant 80 : index
    %swap3A_34 = tpu.vector_load %arg12[%swap3A_33] {strides = array<i32>} : memref<128xf32, #tpu.memory_space<vmem>>, vector<16xf32>,
    %swap3A_35 = vector.shape_cast %swap3A_34 : vector<16xf32> to vector<16xf32>
    %swap3A_36 = vector.shape_cast %broadcast_in_dim3A_2 : vector<16xf32> to vector<16xf32>
    tpu.vector_store %arg12[%swap3A_33], %swap3A_36 {strides = array<i32>} : memref<128xf32, #tpu.memory_space<vmem>>, vector<16xf32>,
    %swap3A_37 = arith.constant 96 : index
    %swap3A_38 = tpu.vector_load %arg12[%swap3A_37] {strides = array<i32>} : memref<128xf32, #tpu.memory_space<vmem>>, vector<16xf32>,
    %swap3A_39 = vector.shape_cast %swap3A_38 : vector<16xf32> to vector<16xf32>
    %swap3A_40 = vector.shape_cast %broadcast_in_dim3A_2 : vector<16xf32> to vector<16xf32>
    tpu.vector_store %arg12[%swap3A_37], %swap3A_40 {strides = array<i32>} : memref<128xf32, #tpu.memory_space<vmem>>, vector<16xf32>,
    %swap3A_41 = arith.constant 112 : index
    %swap3A_42 = tpu.vector_load %arg12[%swap3A_41] {strides = array<i32>} : memref<128xf32, #tpu.memory_space<vmem>>, vector<16xf32>,
    %swap3A_43 = vector.shape_cast %swap3A_42 : vector<16xf32> to vector<16xf32>
    %swap3A_44 = vector.shape_cast %broadcast_in_dim3A_2 : vector<16xf32> to vector<16xf32>
    tpu.vector_store %arg12[%swap3A_41], %swap3A_44 {strides = array<i32>} : memref<128xf32, #tpu.memory_space<vmem>>, vector<16xf32>,
    %mul3A = arith.constant 624 : i32
    %mul3A_45 = arith.muli %arg1, %mul3A : i32
    %add3A = arith.constant 0 : i32
    %add3A_46 = arith.addi %mul3A_45, %add3A : i32
    %run_scoped3A = arith.constant 0 : i32
    "tpu.region"() ({
      %run_scoped3A_267 = tpu.sem_alloc : memref<!tpu.dma_semaphore, #tpu.memory_space<semaphore_mem>>
      %dma_start3A_268 = arith.constant 0 : i32
      %dma_start3A_269 = arith.constant 0 : i32
      %dma_start3A_270 = tpu.memref_slice %arg11[%run_scoped3A, %dma_start3A_268, %dma_start3A_269] : memref<2x128x128xf32, #tpu.memory_space<vmem>> -> memref<1x128x128xf32, #tpu.memory_space<vmem>>
      %dma_start3A_271 = tpu.memref_squeeze %dma_start3A_270 : memref<1x128x128xf32, #tpu.memory_space<vmem>> -> memref<128x128xf32, #tpu.memory_space<vmem>>
      %dma_start3A_272 = arith.constant 0 : i32
      %dma_start3A_273 = tpu.memref_slice %arg14[%add3A_46, %dma_start3A_272] : memref<10000x128xf32, #tpu.memory_space<vmem_shared>> -> memref<128x128xf32, #tpu.memory_space<vmem_shared>>
      %dma_start3A_274 = arith.constant 0 : i32
      %dma_start3A_275 = tpu.memref_slice %arg14[%add3A_46, %dma_start3A_274] : memref<10000x128xf32, #tpu.memory_space<vmem_shared>> -> memref<128x128xf32, #tpu.memory_space<vmem_shared>>
      %dma_start3A_276 = arith.constant 0 : i32
      %dma_start3A_277 = arith.constant 0 : i32
      %dma_start3A_278 = tpu.memref_slice %arg11[%run_scoped3A, %dma_start3A_276, %dma_start3A_277] : memref<2x128x128xf32, #tpu.memory_space<vmem>> -> memref<1x128x128xf32, #tpu.memory_space<vmem>>
      %dma_start3A_279 = tpu.memref_squeeze %dma_start3A_278 : memref<1x128x128xf32, #tpu.memory_space<vmem>> -> memref<128x128xf32, #tpu.memory_space<vmem>>
      tpu.enqueue_dma source(%dma_start3A_279 : memref<128x128xf32, #tpu.memory_space<vmem>>) target(%dma_start3A_275 : memref<128x128xf32, #tpu.memory_space<vmem_shared>>) target_semaphore(%run_scoped3A_267 : memref<!tpu.dma_semaphore, #tpu.memory_space<semaphore_mem>>)
      %dma_wait3A_280 = arith.constant 0 : i32
      %dma_wait3A_281 = arith.constant 0 : i32
      %dma_wait3A_282 = tpu.memref_slice %arg11[%run_scoped3A, %dma_wait3A_280, %dma_wait3A_281] : memref<2x128x128xf32, #tpu.memory_space<vmem>> -> memref<1x128x128xf32, #tpu.memory_space<vmem>>
      %dma_wait3A_283 = tpu.memref_squeeze %dma_wait3A_282 : memref<1x128x128xf32, #tpu.memory_space<vmem>> -> memref<128x128xf32, #tpu.memory_space<vmem>>
      %dma_wait3A_284 = arith.constant 0 : i32
      %dma_wait3A_285 = tpu.memref_slice %arg14[%add3A_46, %dma_wait3A_284] : memref<10000x128xf32, #tpu.memory_space<vmem_shared>> -> memref<128x128xf32, #tpu.memory_space<vmem_shared>>
      %dma_wait3A_286 = arith.constant 0 : i32
      %dma_wait3A_287 = tpu.memref_slice %arg14[%add3A_46, %dma_wait3A_286] : memref<10000x128xf32, #tpu.memory_space<vmem_shared>> -> memref<128x128xf32, #tpu.memory_space<vmem_shared>>
      %dma_wait3A_288 = arith.constant 0 : i32
      %dma_wait3A_289 = arith.constant 0 : i32
      %dma_wait3A_290 = tpu.memref_slice %arg11[%run_scoped3A, %dma_wait3A_288, %dma_wait3A_289] : memref<2x128x128xf32, #tpu.memory_space<vmem>> -> memref<1x128x128xf32, #tpu.memory_space<vmem>>
      %dma_wait3A_291 = tpu.memref_squeeze %dma_wait3A_290 : memref<1x128x128xf32, #tpu.memory_space<vmem>> -> memref<128x128xf32, #tpu.memory_space<vmem>>
      tpu.wait_dma2 semaphore(%run_scoped3A_267 : memref<!tpu.dma_semaphore, #tpu.memory_space<semaphore_mem>>) src(%dma_wait3A_291 : memref<128x128xf32, #tpu.memory_space<vmem>>) dst(%dma_wait3A_287 : memref<128x128xf32, #tpu.memory_space<vmem_shared>>)
      tpu.yield
    }) : () -> ()
    %add3A_47 = arith.constant 128 : i32
    %add3A_48 = arith.addi %mul3A_45, %add3A_47 : i32
    %run_scoped3A_49 = arith.constant 0 : i32
    "tpu.region"() ({
      %run_scoped3A_267 = tpu.sem_alloc : memref<!tpu.dma_semaphore, #tpu.memory_space<semaphore_mem>>
      %dma_start3A_268 = arith.constant 0 : i32
      %dma_start3A_269 = arith.constant 0 : i32
      %dma_start3A_270 = tpu.memref_slice %arg11[%run_scoped3A_49, %dma_start3A_268, %dma_start3A_269] : memref<2x128x128xf32, #tpu.memory_space<vmem>> -> memref<1x128x128xf32, #tpu.memory_space<vmem>>
      %dma_start3A_271 = tpu.memref_squeeze %dma_start3A_270 : memref<1x128x128xf32, #tpu.memory_space<vmem>> -> memref<128x128xf32, #tpu.memory_space<vmem>>
      %dma_start3A_272 = arith.constant 0 : i32
      %dma_start3A_273 = tpu.memref_slice %arg14[%add3A_48, %dma_start3A_272] : memref<10000x128xf32, #tpu.memory_space<vmem_shared>> -> memref<128x128xf32, #tpu.memory_space<vmem_shared>>
      %dma_start3A_274 = arith.constant 0 : i32
      %dma_start3A_275 = tpu.memref_slice %arg14[%add3A_48, %dma_start3A_274] : memref<10000x128xf32, #tpu.memory_space<vmem_shared>> -> memref<128x128xf32, #tpu.memory_space<vmem_shared>>
      %dma_start3A_276 = arith.constant 0 : i32
      %dma_start3A_277 = arith.constant 0 : i32
      %dma_start3A_278 = tpu.memref_slice %arg11[%run_scoped3A_49, %dma_start3A_276, %dma_start3A_277] : memref<2x128x128xf32, #tpu.memory_space<vmem>> -> memref<1x128x128xf32, #tpu.memory_space<vmem>>
      %dma_start3A_279 = tpu.memref_squeeze %dma_start3A_278 : memref<1x128x128xf32, #tpu.memory_space<vmem>> -> memref<128x128xf32, #tpu.memory_space<vmem>>
      tpu.enqueue_dma source(%dma_start3A_279 : memref<128x128xf32, #tpu.memory_space<vmem>>) target(%dma_start3A_275 : memref<128x128xf32, #tpu.memory_space<vmem_shared>>) target_semaphore(%run_scoped3A_267 : memref<!tpu.dma_semaphore, #tpu.memory_space<semaphore_mem>>)
      %dma_wait3A_280 = arith.constant 0 : i32
      %dma_wait3A_281 = arith.constant 0 : i32
      %dma_wait3A_282 = tpu.memref_slice %arg11[%run_scoped3A_49, %dma_wait3A_280, %dma_wait3A_281] : memref<2x128x128xf32, #tpu.memory_space<vmem>> -> memref<1x128x128xf32, #tpu.memory_space<vmem>>
      %dma_wait3A_283 = tpu.memref_squeeze %dma_wait3A_282 : memref<1x128x128xf32, #tpu.memory_space<vmem>> -> memref<128x128xf32, #tpu.memory_space<vmem>>
      %dma_wait3A_284 = arith.constant 0 : i32
      %dma_wait3A_285 = tpu.memref_slice %arg14[%add3A_48, %dma_wait3A_284] : memref<10000x128xf32, #tpu.memory_space<vmem_shared>> -> memref<128x128xf32, #tpu.memory_space<vmem_shared>>
      %dma_wait3A_286 = arith.constant 0 : i32
      %dma_wait3A_287 = tpu.memref_slice %arg14[%add3A_48, %dma_wait3A_286] : memref<10000x128xf32, #tpu.memory_space<vmem_shared>> -> memref<128x128xf32, #tpu.memory_space<vmem_shared>>
      %dma_wait3A_288 = arith.constant 0 : i32
      %dma_wait3A_289 = arith.constant 0 : i32
      %dma_wait3A_290 = tpu.memref_slice %arg11[%run_scoped3A_49, %dma_wait3A_288, %dma_wait3A_289] : memref<2x128x128xf32, #tpu.memory_space<vmem>> -> memref<1x128x128xf32, #tpu.memory_space<vmem>>
      %dma_wait3A_291 = tpu.memref_squeeze %dma_wait3A_290 : memref<1x128x128xf32, #tpu.memory_space<vmem>> -> memref<128x128xf32, #tpu.memory_space<vmem>>
      tpu.wait_dma2 semaphore(%run_scoped3A_267 : memref<!tpu.dma_semaphore, #tpu.memory_space<semaphore_mem>>) src(%dma_wait3A_291 : memref<128x128xf32, #tpu.memory_space<vmem>>) dst(%dma_wait3A_287 : memref<128x128xf32, #tpu.memory_space<vmem_shared>>)
      tpu.yield
    }) : () -> ()
    %add3A_50 = arith.constant 256 : i32
    %add3A_51 = arith.addi %mul3A_45, %add3A_50 : i32
    %run_scoped3A_52 = arith.constant 0 : i32
    "tpu.region"() ({
      %run_scoped3A_267 = tpu.sem_alloc : memref<!tpu.dma_semaphore, #tpu.memory_space<semaphore_mem>>
      %dma_start3A_268 = arith.constant 0 : i32
      %dma_start3A_269 = arith.constant 0 : i32
      %dma_start3A_270 = tpu.memref_slice %arg11[%run_scoped3A_52, %dma_start3A_268, %dma_start3A_269] : memref<2x128x128xf32, #tpu.memory_space<vmem>> -> memref<1x128x128xf32, #tpu.memory_space<vmem>>
      %dma_start3A_271 = tpu.memref_squeeze %dma_start3A_270 : memref<1x128x128xf32, #tpu.memory_space<vmem>> -> memref<128x128xf32, #tpu.memory_space<vmem>>
      %dma_start3A_272 = arith.constant 0 : i32
      %dma_start3A_273 = tpu.memref_slice %arg14[%add3A_51, %dma_start3A_272] : memref<10000x128xf32, #tpu.memory_space<vmem_shared>> -> memref<128x128xf32, #tpu.memory_space<vmem_shared>>
      %dma_start3A_274 = arith.constant 0 : i32
      %dma_start3A_275 = tpu.memref_slice %arg14[%add3A_51, %dma_start3A_274] : memref<10000x128xf32, #tpu.memory_space<vmem_shared>> -> memref<128x128xf32, #tpu.memory_space<vmem_shared>>
      %dma_start3A_276 = arith.constant 0 : i32
      %dma_start3A_277 = arith.constant 0 : i32
      %dma_start3A_278 = tpu.memref_slice %arg11[%run_scoped3A_52, %dma_start3A_276, %dma_start3A_277] : memref<2x128x128xf32, #tpu.memory_space<vmem>> -> memref<1x128x128xf32, #tpu.memory_space<vmem>>
      %dma_start3A_279 = tpu.memref_squeeze %dma_start3A_278 : memref<1x128x128xf32, #tpu.memory_space<vmem>> -> memref<128x128xf32, #tpu.memory_space<vmem>>
      tpu.enqueue_dma source(%dma_start3A_279 : memref<128x128xf32, #tpu.memory_space<vmem>>) target(%dma_start3A_275 : memref<128x128xf32, #tpu.memory_space<vmem_shared>>) target_semaphore(%run_scoped3A_267 : memref<!tpu.dma_semaphore, #tpu.memory_space<semaphore_mem>>)
      %dma_wait3A_280 = arith.constant 0 : i32
      %dma_wait3A_281 = arith.constant 0 : i32
      %dma_wait3A_282 = tpu.memref_slice %arg11[%run_scoped3A_52, %dma_wait3A_280, %dma_wait3A_281] : memref<2x128x128xf32, #tpu.memory_space<vmem>> -> memref<1x128x128xf32, #tpu.memory_space<vmem>>
      %dma_wait3A_283 = tpu.memref_squeeze %dma_wait3A_282 : memref<1x128x128xf32, #tpu.memory_space<vmem>> -> memref<128x128xf32, #tpu.memory_space<vmem>>
      %dma_wait3A_284 = arith.constant 0 : i32
      %dma_wait3A_285 = tpu.memref_slice %arg14[%add3A_51, %dma_wait3A_284] : memref<10000x128xf32, #tpu.memory_space<vmem_shared>> -> memref<128x128xf32, #tpu.memory_space<vmem_shared>>
      %dma_wait3A_286 = arith.constant 0 : i32
      %dma_wait3A_287 = tpu.memref_slice %arg14[%add3A_51, %dma_wait3A_286] : memref<10000x128xf32, #tpu.memory_space<vmem_shared>> -> memref<128x128xf32, #tpu.memory_space<vmem_shared>>
      %dma_wait3A_288 = arith.constant 0 : i32
      %dma_wait3A_289 = arith.constant 0 : i32
      %dma_wait3A_290 = tpu.memref_slice %arg11[%run_scoped3A_52, %dma_wait3A_288, %dma_wait3A_289] : memref<2x128x128xf32, #tpu.memory_space<vmem>> -> memref<1x128x128xf32, #tpu.memory_space<vmem>>
      %dma_wait3A_291 = tpu.memref_squeeze %dma_wait3A_290 : memref<1x128x128xf32, #tpu.memory_space<vmem>> -> memref<128x128xf32, #tpu.memory_space<vmem>>
      tpu.wait_dma2 semaphore(%run_scoped3A_267 : memref<!tpu.dma_semaphore, #tpu.memory_space<semaphore_mem>>) src(%dma_wait3A_291 : memref<128x128xf32, #tpu.memory_space<vmem>>) dst(%dma_wait3A_287 : memref<128x128xf32, #tpu.memory_space<vmem_shared>>)
      tpu.yield
    }) : () -> ()
    %add3A_53 = arith.constant 384 : i32
    %add3A_54 = arith.addi %mul3A_45, %add3A_53 : i32
    %run_scoped3A_55 = arith.constant 0 : i32
    "tpu.region"() ({
      %run_scoped3A_267 = tpu.sem_alloc : memref<!tpu.dma_semaphore, #tpu.memory_space<semaphore_mem>>
      %dma_start3A_268 = arith.constant 0 : i32
      %dma_start3A_269 = arith.constant 0 : i32
      %dma_start3A_270 = tpu.memref_slice %arg11[%run_scoped3A_55, %dma_start3A_268, %dma_start3A_269] : memref<2x128x128xf32, #tpu.memory_space<vmem>> -> memref<1x128x128xf32, #tpu.memory_space<vmem>>
      %dma_start3A_271 = tpu.memref_squeeze %dma_start3A_270 : memref<1x128x128xf32, #tpu.memory_space<vmem>> -> memref<128x128xf32, #tpu.memory_space<vmem>>
      %dma_start3A_272 = arith.constant 0 : i32
      %dma_start3A_273 = tpu.memref_slice %arg14[%add3A_54, %dma_start3A_272] : memref<10000x128xf32, #tpu.memory_space<vmem_shared>> -> memref<128x128xf32, #tpu.memory_space<vmem_shared>>
      %dma_start3A_274 = arith.constant 0 : i32
      %dma_start3A_275 = tpu.memref_slice %arg14[%add3A_54, %dma_start3A_274] : memref<10000x128xf32, #tpu.memory_space<vmem_shared>> -> memref<128x128xf32, #tpu.memory_space<vmem_shared>>
      %dma_start3A_276 = arith.constant 0 : i32
      %dma_start3A_277 = arith.constant 0 : i32
      %dma_start3A_278 = tpu.memref_slice %arg11[%run_scoped3A_55, %dma_start3A_276, %dma_start3A_277] : memref<2x128x128xf32, #tpu.memory_space<vmem>> -> memref<1x128x128xf32, #tpu.memory_space<vmem>>
      %dma_start3A_279 = tpu.memref_squeeze %dma_start3A_278 : memref<1x128x128xf32, #tpu.memory_space<vmem>> -> memref<128x128xf32, #tpu.memory_space<vmem>>
      tpu.enqueue_dma source(%dma_start3A_279 : memref<128x128xf32, #tpu.memory_space<vmem>>) target(%dma_start3A_275 : memref<128x128xf32, #tpu.memory_space<vmem_shared>>) target_semaphore(%run_scoped3A_267 : memref<!tpu.dma_semaphore, #tpu.memory_space<semaphore_mem>>)
      %dma_wait3A_280 = arith.constant 0 : i32
      %dma_wait3A_281 = arith.constant 0 : i32
      %dma_wait3A_282 = tpu.memref_slice %arg11[%run_scoped3A_55, %dma_wait3A_280, %dma_wait3A_281] : memref<2x128x128xf32, #tpu.memory_space<vmem>> -> memref<1x128x128xf32, #tpu.memory_space<vmem>>
      %dma_wait3A_283 = tpu.memref_squeeze %dma_wait3A_282 : memref<1x128x128xf32, #tpu.memory_space<vmem>> -> memref<128x128xf32, #tpu.memory_space<vmem>>
      %dma_wait3A_284 = arith.constant 0 : i32
      %dma_wait3A_285 = tpu.memref_slice %arg14[%add3A_54, %dma_wait3A_284] : memref<10000x128xf32, #tpu.memory_space<vmem_shared>> -> memref<128x128xf32, #tpu.memory_space<vmem_shared>>
      %dma_wait3A_286 = arith.constant 0 : i32
      %dma_wait3A_287 = tpu.memref_slice %arg14[%add3A_54, %dma_wait3A_286] : memref<10000x128xf32, #tpu.memory_space<vmem_shared>> -> memref<128x128xf32, #tpu.memory_space<vmem_shared>>
      %dma_wait3A_288 = arith.constant 0 : i32
      %dma_wait3A_289 = arith.constant 0 : i32
      %dma_wait3A_290 = tpu.memref_slice %arg11[%run_scoped3A_55, %dma_wait3A_288, %dma_wait3A_289] : memref<2x128x128xf32, #tpu.memory_space<vmem>> -> memref<1x128x128xf32, #tpu.memory_space<vmem>>
      %dma_wait3A_291 = tpu.memref_squeeze %dma_wait3A_290 : memref<1x128x128xf32, #tpu.memory_space<vmem>> -> memref<128x128xf32, #tpu.memory_space<vmem>>
      tpu.wait_dma2 semaphore(%run_scoped3A_267 : memref<!tpu.dma_semaphore, #tpu.memory_space<semaphore_mem>>) src(%dma_wait3A_291 : memref<128x128xf32, #tpu.memory_space<vmem>>) dst(%dma_wait3A_287 : memref<128x128xf32, #tpu.memory_space<vmem_shared>>)
      tpu.yield
    }) : () -> ()
    %add3A_56 = arith.constant 512 : i32
    %add3A_57 = arith.addi %mul3A_45, %add3A_56 : i32
    %run_scoped3A_58 = arith.constant 0 : i32
    "tpu.region"() ({
      %run_scoped3A_267 = tpu.sem_alloc : memref<!tpu.dma_semaphore, #tpu.memory_space<semaphore_mem>>
      %dma_start3A_268 = arith.constant 0 : i32
      %dma_start3A_269 = arith.constant 0 : i32
      %dma_start3A_270 = tpu.memref_slice %arg11[%run_scoped3A_58, %dma_start3A_268, %dma_start3A_269] : memref<2x128x128xf32, #tpu.memory_space<vmem>> -> memref<1x128x128xf32, #tpu.memory_space<vmem>>
      %dma_start3A_271 = tpu.memref_squeeze %dma_start3A_270 : memref<1x128x128xf32, #tpu.memory_space<vmem>> -> memref<128x128xf32, #tpu.memory_space<vmem>>
      %dma_start3A_272 = arith.constant 0 : i32
      %dma_start3A_273 = tpu.memref_slice %arg14[%add3A_57, %dma_start3A_272] : memref<10000x128xf32, #tpu.memory_space<vmem_shared>> -> memref<128x128xf32, #tpu.memory_space<vmem_shared>>
      %dma_start3A_274 = arith.constant 0 : i32
      %dma_start3A_275 = tpu.memref_slice %arg14[%add3A_57, %dma_start3A_274] : memref<10000x128xf32, #tpu.memory_space<vmem_shared>> -> memref<128x128xf32, #tpu.memory_space<vmem_shared>>
      %dma_start3A_276 = arith.constant 0 : i32
      %dma_start3A_277 = arith.constant 0 : i32
      %dma_start3A_278 = tpu.memref_slice %arg11[%run_scoped3A_58, %dma_start3A_276, %dma_start3A_277] : memref<2x128x128xf32, #tpu.memory_space<vmem>> -> memref<1x128x128xf32, #tpu.memory_space<vmem>>
      %dma_start3A_279 = tpu.memref_squeeze %dma_start3A_278 : memref<1x128x128xf32, #tpu.memory_space<vmem>> -> memref<128x128xf32, #tpu.memory_space<vmem>>
      tpu.enqueue_dma source(%dma_start3A_279 : memref<128x128xf32, #tpu.memory_space<vmem>>) target(%dma_start3A_275 : memref<128x128xf32, #tpu.memory_space<vmem_shared>>) target_semaphore(%run_scoped3A_267 : memref<!tpu.dma_semaphore, #tpu.memory_space<semaphore_mem>>)
      %dma_wait3A_280 = arith.constant 0 : i32
      %dma_wait3A_281 = arith.constant 0 : i32
      %dma_wait3A_282 = tpu.memref_slice %arg11[%run_scoped3A_58, %dma_wait3A_280, %dma_wait3A_281] : memref<2x128x128xf32, #tpu.memory_space<vmem>> -> memref<1x128x128xf32, #tpu.memory_space<vmem>>
      %dma_wait3A_283 = tpu.memref_squeeze %dma_wait3A_282 : memref<1x128x128xf32, #tpu.memory_space<vmem>> -> memref<128x128xf32, #tpu.memory_space<vmem>>
      %dma_wait3A_284 = arith.constant 0 : i32
      %dma_wait3A_285 = tpu.memref_slice %arg14[%add3A_57, %dma_wait3A_284] : memref<10000x128xf32, #tpu.memory_space<vmem_shared>> -> memref<128x128xf32, #tpu.memory_space<vmem_shared>>
      %dma_wait3A_286 = arith.constant 0 : i32
      %dma_wait3A_287 = tpu.memref_slice %arg14[%add3A_57, %dma_wait3A_286] : memref<10000x128xf32, #tpu.memory_space<vmem_shared>> -> memref<128x128xf32, #tpu.memory_space<vmem_shared>>
      %dma_wait3A_288 = arith.constant 0 : i32
      %dma_wait3A_289 = arith.constant 0 : i32
      %dma_wait3A_290 = tpu.memref_slice %arg11[%run_scoped3A_58, %dma_wait3A_288, %dma_wait3A_289] : memref<2x128x128xf32, #tpu.memory_space<vmem>> -> memref<1x128x128xf32, #tpu.memory_space<vmem>>
      %dma_wait3A_291 = tpu.memref_squeeze %dma_wait3A_290 : memref<1x128x128xf32, #tpu.memory_space<vmem>> -> memref<128x128xf32, #tpu.memory_space<vmem>>
      tpu.wait_dma2 semaphore(%run_scoped3A_267 : memref<!tpu.dma_semaphore, #tpu.memory_space<semaphore_mem>>) src(%dma_wait3A_291 : memref<128x128xf32, #tpu.memory_space<vmem>>) dst(%dma_wait3A_287 : memref<128x128xf32, #tpu.memory_space<vmem_shared>>)
      tpu.yield
    }) : () -> ()
    "tpu.region"() ({
      %run_scoped3A_267 = tpu.sem_alloc : memref<!tpu.dma_semaphore, #tpu.memory_space<semaphore_mem>>
      %dma_start3A_268 = tpu.memref_slice %arg15[%mul3A_45] : memref<10000xf32, #tpu.memory_space<vmem_shared>> -> memref<640xf32, #tpu.memory_space<vmem_shared>>
      %dma_start3A_269 = tpu.memref_slice %arg15[%mul3A_45] : memref<10000xf32, #tpu.memory_space<vmem_shared>> -> memref<640xf32, #tpu.memory_space<vmem_shared>>
      tpu.enqueue_dma source(%arg13 : memref<640xf32, #tpu.memory_space<vmem>>) target(%dma_start3A_269 : memref<640xf32, #tpu.memory_space<vmem_shared>>) target_semaphore(%run_scoped3A_267 : memref<!tpu.dma_semaphore, #tpu.memory_space<semaphore_mem>>)
      %dma_wait3A_270 = tpu.memref_slice %arg15[%mul3A_45] : memref<10000xf32, #tpu.memory_space<vmem_shared>> -> memref<640xf32, #tpu.memory_space<vmem_shared>>
      %dma_wait3A_271 = tpu.memref_slice %arg15[%mul3A_45] : memref<10000xf32, #tpu.memory_space<vmem_shared>> -> memref<640xf32, #tpu.memory_space<vmem_shared>>
      tpu.wait_dma2 semaphore(%run_scoped3A_267 : memref<!tpu.dma_semaphore, #tpu.memory_space<semaphore_mem>>) src(%arg13 : memref<640xf32, #tpu.memory_space<vmem>>) dst(%dma_wait3A_271 : memref<640xf32, #tpu.memory_space<vmem_shared>>)
      tpu.yield
    }) : () -> ()
    %barrier3A = arith.constant 0 : index
    tpu.barrier barrier_id(%barrier3A)
    %mul3A_59 = arith.constant 2500 : i32
    %mul3A_60 = arith.muli %mul3A_59, %arg1 : i32
    %jit3A = arith.constant 16 : i32
    %div3A = arith.divsi %mul3A_60, %jit3A : i32
    %sign3A = arith.constant 0 : i32
    %sign3A_61 = arith.cmpi sgt, %mul3A_60, %sign3A : i32
    %sign3A_62 = arith.extui %sign3A_61 : i1 to i32
    %sign3A_63 = arith.constant 0 : i32
    %sign3A_64 = arith.cmpi slt, %mul3A_60, %sign3A_63 : i32
    %sign3A_65 = arith.extui %sign3A_64 : i1 to i32
    %sign3A_66 = arith.subi %sign3A_62, %sign3A_65 : i32
    %sign3A_67 = arith.constant 0 : i32
    %sign3A_68 = arith.cmpi sgt, %jit3A, %sign3A_67 : i32
    %sign3A_69 = arith.extui %sign3A_68 : i1 to i32
    %sign3A_70 = arith.constant 0 : i32
    %sign3A_71 = arith.cmpi slt, %jit3A, %sign3A_70 : i32
    %sign3A_72 = arith.extui %sign3A_71 : i1 to i32
    %sign3A_73 = arith.subi %sign3A_69, %sign3A_72 : i32
    %ne3A = arith.cmpi ne, %sign3A_66, %sign3A_73 : i32
    %rem3A = arith.remsi %mul3A_60, %jit3A : i32
    %ne3A_74 = arith.constant 0 : i32
    %ne3A_75 = arith.cmpi ne, %rem3A, %ne3A_74 : i32
    %and3A = arith.andi %ne3A, %ne3A_75 : i1
    %sub3A = arith.constant 1 : i32
    %sub3A_76 = arith.subi %div3A, %sub3A : i32
    %select_n3A = arith.select %and3A, %sub3A_76, %div3A : i32
    %add3A_77 = arith.constant 1 : i32
    %add3A_78 = arith.addi %arg1, %add3A_77 : i32
    %mul3A_79 = arith.constant 2500 : i32
    %mul3A_80 = arith.muli %mul3A_79, %add3A_78 : i32
    %jit3A_81 = arith.constant 16 : i32
    %div3A_82 = arith.divsi %mul3A_80, %jit3A_81 : i32
    %sign3A_83 = arith.constant 0 : i32
    %sign3A_84 = arith.cmpi sgt, %mul3A_80, %sign3A_83 : i32
    %sign3A_85 = arith.extui %sign3A_84 : i1 to i32
    %sign3A_86 = arith.constant 0 : i32
    %sign3A_87 = arith.cmpi slt, %mul3A_80, %sign3A_86 : i32
    %sign3A_88 = arith.extui %sign3A_87 : i1 to i32
    %sign3A_89 = arith.subi %sign3A_85, %sign3A_88 : i32
    %sign3A_90 = arith.constant 0 : i32
    %sign3A_91 = arith.cmpi sgt, %jit3A_81, %sign3A_90 : i32
    %sign3A_92 = arith.extui %sign3A_91 : i1 to i32
    %sign3A_93 = arith.constant 0 : i32
    %sign3A_94 = arith.cmpi slt, %jit3A_81, %sign3A_93 : i32
    %sign3A_95 = arith.extui %sign3A_94 : i1 to i32
    %sign3A_96 = arith.subi %sign3A_92, %sign3A_95 : i32
    %ne3A_97 = arith.cmpi ne, %sign3A_89, %sign3A_96 : i32
    %rem3A_98 = arith.remsi %mul3A_80, %jit3A_81 : i32
    %ne3A_99 = arith.constant 0 : i32
    %ne3A_100 = arith.cmpi ne, %rem3A_98, %ne3A_99 : i32
    %and3A_101 = arith.andi %ne3A_97, %ne3A_100 : i1
    %sub3A_102 = arith.constant 1 : i32
    %sub3A_103 = arith.subi %div3A_82, %sub3A_102 : i32
    %select_n3A_104 = arith.select %and3A_101, %sub3A_103, %div3A_82 : i32
    %sub3A_105 = arith.subi %select_n3A_104, %select_n3A : i32
    %run_scoped3A_106 = arith.constant 0 : i32
    "tpu.region"() ({
      %run_scoped3A_267 = tpu.sem_alloc : memref<!tpu.dma_semaphore, #tpu.memory_space<semaphore_mem>>
      %dma_start3A_268 = arith.constant 0 : i32
      %dma_start3A_269 = arith.constant 0 : i32
      %dma_start3A_270 = tpu.memref_slice %arg10[%run_scoped3A_106, %dma_start3A_268, %dma_start3A_269] : memref<3x16x128xi32, #tpu.memory_space<vmem>> -> memref<1x16x128xi32, #tpu.memory_space<vmem>>
      %dma_start3A_271 = tpu.memref_squeeze %dma_start3A_270 : memref<1x16x128xi32, #tpu.memory_space<vmem>> -> memref<16x128xi32, #tpu.memory_space<vmem>>
      %dma_start3A_272 = arith.constant 0 : i32
      %dma_start3A_273 = tpu.memref_slice %arg3[%select_n3A, %dma_start3A_272] : memref<2528x128xi32, #tpu.memory_space<hbm>> -> memref<16x128xi32, #tpu.memory_space<hbm>>
      %dma_start3A_274 = arith.constant 0 : i32
      %dma_start3A_275 = arith.constant 0 : i32
      %dma_start3A_276 = tpu.memref_slice %arg10[%run_scoped3A_106, %dma_start3A_274, %dma_start3A_275] : memref<3x16x128xi32, #tpu.memory_space<vmem>> -> memref<1x16x128xi32, #tpu.memory_space<vmem>>
      %dma_start3A_277 = tpu.memref_squeeze %dma_start3A_276 : memref<1x16x128xi32, #tpu.memory_space<vmem>> -> memref<16x128xi32, #tpu.memory_space<vmem>>
      %dma_start3A_278 = arith.constant 0 : i32
      %dma_start3A_279 = tpu.memref_slice %arg3[%select_n3A, %dma_start3A_278] : memref<2528x128xi32, #tpu.memory_space<hbm>> -> memref<16x128xi32, #tpu.memory_space<hbm>>
      tpu.enqueue_dma source(%dma_start3A_279 : memref<16x128xi32, #tpu.memory_space<hbm>>) target(%dma_start3A_277 : memref<16x128xi32, #tpu.memory_space<vmem>>) target_semaphore(%run_scoped3A_267 : memref<!tpu.dma_semaphore, #tpu.memory_space<semaphore_mem>>)
      %dma_wait3A_280 = arith.constant 0 : i32
      %dma_wait3A_281 = arith.constant 0 : i32
      %dma_wait3A_282 = tpu.memref_slice %arg10[%run_scoped3A_106, %dma_wait3A_280, %dma_wait3A_281] : memref<3x16x128xi32, #tpu.memory_space<vmem>> -> memref<1x16x128xi32, #tpu.memory_space<vmem>>
      %dma_wait3A_283 = tpu.memref_squeeze %dma_wait3A_282 : memref<1x16x128xi32, #tpu.memory_space<vmem>> -> memref<16x128xi32, #tpu.memory_space<vmem>>
      %dma_wait3A_284 = arith.constant 0 : i32
      %dma_wait3A_285 = tpu.memref_slice %arg3[%select_n3A, %dma_wait3A_284] : memref<2528x128xi32, #tpu.memory_space<hbm>> -> memref<16x128xi32, #tpu.memory_space<hbm>>
      %dma_wait3A_286 = arith.constant 0 : i32
      %dma_wait3A_287 = arith.constant 0 : i32
      %dma_wait3A_288 = tpu.memref_slice %arg10[%run_scoped3A_106, %dma_wait3A_286, %dma_wait3A_287] : memref<3x16x128xi32, #tpu.memory_space<vmem>> -> memref<1x16x128xi32, #tpu.memory_space<vmem>>
      %dma_wait3A_289 = tpu.memref_squeeze %dma_wait3A_288 : memref<1x16x128xi32, #tpu.memory_space<vmem>> -> memref<16x128xi32, #tpu.memory_space<vmem>>
      %dma_wait3A_290 = arith.constant 0 : i32
      %dma_wait3A_291 = tpu.memref_slice %arg3[%select_n3A, %dma_wait3A_290] : memref<2528x128xi32, #tpu.memory_space<hbm>> -> memref<16x128xi32, #tpu.memory_space<hbm>>
      tpu.wait_dma2 semaphore(%run_scoped3A_267 : memref<!tpu.dma_semaphore, #tpu.memory_space<semaphore_mem>>) src(%dma_wait3A_291 : memref<16x128xi32, #tpu.memory_space<hbm>>) dst(%dma_wait3A_289 : memref<16x128xi32, #tpu.memory_space<vmem>>)
      tpu.yield
    }) : () -> ()
    %eq3A = arith.constant 0 : i32
    %eq3A_107 = arith.cmpi eq, %arg0, %eq3A : i32
    %convert_element_type3A = arith.extui %eq3A_107 : i1 to i32
    %cond3A = arith.constant 0 : i32
    %cond3A_108 = arith.cmpi ne, %convert_element_type3A, %cond3A : i32
    scf.if %cond3A_108 {
      %run_scoped3A_267 = arith.constant 0 : i32
      "tpu.region"() ({
        %run_scoped3A_268 = tpu.sem_alloc : memref<!tpu.dma_semaphore, #tpu.memory_space<semaphore_mem>>
        %dma_start3A_269 = arith.constant 0 : i32
        %dma_start3A_270 = arith.constant 0 : i32
        %dma_start3A_271 = tpu.memref_slice %arg9[%run_scoped3A_267, %dma_start3A_269, %dma_start3A_270] : memref<3x16x128xi32, #tpu.memory_space<vmem>> -> memref<1x16x128xi32, #tpu.memory_space<vmem>>
        %dma_start3A_272 = tpu.memref_squeeze %dma_start3A_271 : memref<1x16x128xi32, #tpu.memory_space<vmem>> -> memref<16x128xi32, #tpu.memory_space<vmem>>
        %dma_start3A_273 = arith.constant 0 : i32
        %dma_start3A_274 = tpu.memref_slice %arg2[%select_n3A, %dma_start3A_273] : memref<2528x128xi32, #tpu.memory_space<hbm>> -> memref<16x128xi32, #tpu.memory_space<hbm>>
        %dma_start3A_275 = arith.constant 0 : i32
        %dma_start3A_276 = arith.constant 0 : i32
        %dma_start3A_277 = tpu.memref_slice %arg9[%run_scoped3A_267, %dma_start3A_275, %dma_start3A_276] : memref<3x16x128xi32, #tpu.memory_space<vmem>> -> memref<1x16x128xi32, #tpu.memory_space<vmem>>
        %dma_start3A_278 = tpu.memref_squeeze %dma_start3A_277 : memref<1x16x128xi32, #tpu.memory_space<vmem>> -> memref<16x128xi32, #tpu.memory_space<vmem>>
        %dma_start3A_279 = arith.constant 0 : i32
        %dma_start3A_280 = tpu.memref_slice %arg2[%select_n3A, %dma_start3A_279] : memref<2528x128xi32, #tpu.memory_space<hbm>> -> memref<16x128xi32, #tpu.memory_space<hbm>>
        tpu.enqueue_dma source(%dma_start3A_280 : memref<16x128xi32, #tpu.memory_space<hbm>>) target(%dma_start3A_278 : memref<16x128xi32, #tpu.memory_space<vmem>>) target_semaphore(%run_scoped3A_268 : memref<!tpu.dma_semaphore, #tpu.memory_space<semaphore_mem>>)
        %dma_wait3A_281 = arith.constant 0 : i32
        %dma_wait3A_282 = arith.constant 0 : i32
        %dma_wait3A_283 = tpu.memref_slice %arg9[%run_scoped3A_267, %dma_wait3A_281, %dma_wait3A_282] : memref<3x16x128xi32, #tpu.memory_space<vmem>> -> memref<1x16x128xi32, #tpu.memory_space<vmem>>
        %dma_wait3A_284 = tpu.memref_squeeze %dma_wait3A_283 : memref<1x16x128xi32, #tpu.memory_space<vmem>> -> memref<16x128xi32, #tpu.memory_space<vmem>>
        %dma_wait3A_285 = arith.constant 0 : i32
        %dma_wait3A_286 = tpu.memref_slice %arg2[%select_n3A, %dma_wait3A_285] : memref<2528x128xi32, #tpu.memory_space<hbm>> -> memref<16x128xi32, #tpu.memory_space<hbm>>
        %dma_wait3A_287 = arith.constant 0 : i32
        %dma_wait3A_288 = arith.constant 0 : i32
        %dma_wait3A_289 = tpu.memref_slice %arg9[%run_scoped3A_267, %dma_wait3A_287, %dma_wait3A_288] : memref<3x16x128xi32, #tpu.memory_space<vmem>> -> memref<1x16x128xi32, #tpu.memory_space<vmem>>
        %dma_wait3A_290 = tpu.memref_squeeze %dma_wait3A_289 : memref<1x16x128xi32, #tpu.memory_space<vmem>> -> memref<16x128xi32, #tpu.memory_space<vmem>>
        %dma_wait3A_291 = arith.constant 0 : i32
        %dma_wait3A_292 = tpu.memref_slice %arg2[%select_n3A, %dma_wait3A_291] : memref<2528x128xi32, #tpu.memory_space<hbm>> -> memref<16x128xi32, #tpu.memory_space<hbm>>
        tpu.wait_dma2 semaphore(%run_scoped3A_268 : memref<!tpu.dma_semaphore, #tpu.memory_space<semaphore_mem>>) src(%dma_wait3A_292 : memref<16x128xi32, #tpu.memory_space<hbm>>) dst(%dma_wait3A_290 : memref<16x128xi32, #tpu.memory_space<vmem>>)
        tpu.yield
      }) : () -> ()
    } else {
    }
    %rem3A_109 = arith.constant 1 : i32
    %rem3A_110 = arith.constant 3 : i32
    %rem3A_111 = arith.remsi %rem3A_109, %rem3A_110 : i32
    %add3A_112 = arith.constant 16 : i32
    %add3A_113 = arith.addi %select_n3A, %add3A_112 : i32
    %dma_start3A = arith.constant 0 : i32
    %dma_start3A_114 = arith.constant 0 : i32
    %dma_start3A_115 = tpu.memref_slice %arg10[%rem3A_111, %dma_start3A, %dma_start3A_114] : memref<3x16x128xi32, #tpu.memory_space<vmem>> -> memref<1x16x128xi32, #tpu.memory_space<vmem>>
    %dma_start3A_116 = tpu.memref_squeeze %dma_start3A_115 : memref<1x16x128xi32, #tpu.memory_space<vmem>> -> memref<16x128xi32, #tpu.memory_space<vmem>>
    %dma_start3A_117 = arith.constant 0 : i32
    %dma_start3A_118 = tpu.memref_slice %arg3[%add3A_113, %dma_start3A_117] : memref<2528x128xi32, #tpu.memory_space<hbm>> -> memref<16x128xi32, #tpu.memory_space<hbm>>
    %dma_start3A_119 = arith.constant 0 : i32
    %dma_start3A_120 = arith.constant 0 : i32
    %dma_start3A_121 = tpu.memref_slice %arg10[%rem3A_111, %dma_start3A_119, %dma_start3A_120] : memref<3x16x128xi32, #tpu.memory_space<vmem>> -> memref<1x16x128xi32, #tpu.memory_space<vmem>>
    %dma_start3A_122 = tpu.memref_squeeze %dma_start3A_121 : memref<1x16x128xi32, #tpu.memory_space<vmem>> -> memref<16x128xi32, #tpu.memory_space<vmem>>
    %dma_start3A_123 = arith.constant 0 : i32
    %dma_start3A_124 = tpu.memref_slice %arg3[%add3A_113, %dma_start3A_123] : memref<2528x128xi32, #tpu.memory_space<hbm>> -> memref<16x128xi32, #tpu.memory_space<hbm>>
    tpu.enqueue_dma source(%dma_start3A_124 : memref<16x128xi32, #tpu.memory_space<hbm>>) target(%dma_start3A_122 : memref<16x128xi32, #tpu.memory_space<vmem>>) target_semaphore(%arg20 : memref<!tpu.dma_semaphore, #tpu.memory_space<semaphore_mem>>)
    %eq3A_125 = arith.constant 0 : i32
    %eq3A_126 = arith.cmpi eq, %arg0, %eq3A_125 : i32
    %convert_element_type3A_127 = arith.extui %eq3A_126 : i1 to i32
    %cond3A_128 = arith.constant 0 : i32
    %cond3A_129 = arith.cmpi ne, %convert_element_type3A_127, %cond3A_128 : i32
    scf.if %cond3A_129 {
      %dma_start3A_267 = arith.constant 0 : i32
      %dma_start3A_268 = arith.constant 0 : i32
      %dma_start3A_269 = tpu.memref_slice %arg9[%rem3A_111, %dma_start3A_267, %dma_start3A_268] : memref<3x16x128xi32, #tpu.memory_space<vmem>> -> memref<1x16x128xi32, #tpu.memory_space<vmem>>
      %dma_start3A_270 = tpu.memref_squeeze %dma_start3A_269 : memref<1x16x128xi32, #tpu.memory_space<vmem>> -> memref<16x128xi32, #tpu.memory_space<vmem>>
      %dma_start3A_271 = arith.constant 0 : i32
      %dma_start3A_272 = tpu.memref_slice %arg2[%add3A_113, %dma_start3A_271] : memref<2528x128xi32, #tpu.memory_space<hbm>> -> memref<16x128xi32, #tpu.memory_space<hbm>>
      %dma_start3A_273 = arith.constant 0 : i32
      %dma_start3A_274 = arith.constant 0 : i32
      %dma_start3A_275 = tpu.memref_slice %arg9[%rem3A_111, %dma_start3A_273, %dma_start3A_274] : memref<3x16x128xi32, #tpu.memory_space<vmem>> -> memref<1x16x128xi32, #tpu.memory_space<vmem>>
      %dma_start3A_276 = tpu.memref_squeeze %dma_start3A_275 : memref<1x16x128xi32, #tpu.memory_space<vmem>> -> memref<16x128xi32, #tpu.memory_space<vmem>>
      %dma_start3A_277 = arith.constant 0 : i32
      %dma_start3A_278 = tpu.memref_slice %arg2[%add3A_113, %dma_start3A_277] : memref<2528x128xi32, #tpu.memory_space<hbm>> -> memref<16x128xi32, #tpu.memory_space<hbm>>
      tpu.enqueue_dma source(%dma_start3A_278 : memref<16x128xi32, #tpu.memory_space<hbm>>) target(%dma_start3A_276 : memref<16x128xi32, #tpu.memory_space<vmem>>) target_semaphore(%arg20 : memref<!tpu.dma_semaphore, #tpu.memory_space<semaphore_mem>>)
    } else {
    }
    %while3A = arith.constant 0 : i32
    %while3A_130 = arith.constant 0 : i32
    %while3A_131 = arith.subi %sub3A_105, %while3A_130 : i32
    %while3A_132 = arith.addi %while3A_130, %while3A_131 : i32
    %while3A_133 = arith.constant 1 : i32
    %while3A_134 = arith.divsi %while3A_131, %while3A_133 : i32
    %while3A_135 = arith.muli %while3A_134, %while3A_133 : i32
    %while3A_136 = arith.addi %while3A_130, %while3A_135 : i32
    %while3A_137 = arith.constant 1 : i32
    scf.for %while3A_267 = %while3A_130 to %while3A_136 step %while3A_137  : i32 {
      %rem3A_268 = arith.constant 2 : i32
      %rem3A_269 = arith.remsi %while3A_267, %rem3A_268 : i32
      %jit3A_270 = arith.constant 16 : i32
      %div3A_271 = arith.divsi %while3A_267, %jit3A_270 : i32
      %sign3A_272 = arith.constant 0 : i32
      %sign3A_273 = arith.cmpi sgt, %while3A_267, %sign3A_272 : i32
      %sign3A_274 = arith.extui %sign3A_273 : i1 to i32
      %sign3A_275 = arith.constant 0 : i32
      %sign3A_276 = arith.cmpi slt, %while3A_267, %sign3A_275 : i32
      %sign3A_277 = arith.extui %sign3A_276 : i1 to i32
      %sign3A_278 = arith.subi %sign3A_274, %sign3A_277 : i32
      %sign3A_279 = arith.constant 0 : i32
      %sign3A_280 = arith.cmpi sgt, %jit3A_270, %sign3A_279 : i32
      %sign3A_281 = arith.extui %sign3A_280 : i1 to i32
      %sign3A_282 = arith.constant 0 : i32
      %sign3A_283 = arith.cmpi slt, %jit3A_270, %sign3A_282 : i32
      %sign3A_284 = arith.extui %sign3A_283 : i1 to i32
      %sign3A_285 = arith.subi %sign3A_281, %sign3A_284 : i32
      %ne3A_286 = arith.cmpi ne, %sign3A_278, %sign3A_285 : i32
      %rem3A_287 = arith.remsi %while3A_267, %jit3A_270 : i32
      %ne3A_288 = arith.constant 0 : i32
      %ne3A_289 = arith.cmpi ne, %rem3A_287, %ne3A_288 : i32
      %and3A_290 = arith.andi %ne3A_286, %ne3A_289 : i1
      %sub3A_291 = arith.constant 1 : i32
      %sub3A_292 = arith.subi %div3A_271, %sub3A_291 : i32
      %select_n3A_293 = arith.select %and3A_290, %sub3A_292, %div3A_271 : i32
      %rem3A_294 = arith.constant 3 : i32
      %rem3A_295 = arith.remsi %select_n3A_293, %rem3A_294 : i32
      %rem3A_296 = arith.constant 16 : i32
      %rem3A_297 = arith.remsi %while3A_267, %rem3A_296 : i32
      %add3A_298 = arith.addi %select_n3A, %while3A_267 : i32
      %gt3A = arith.constant 1 : i32
      %gt3A_299 = arith.cmpi sgt, %while3A_267, %gt3A : i32
      %convert_element_type3A_300 = arith.extui %gt3A_299 : i1 to i32
      %cond3A_301 = arith.constant 0 : i32
      %cond3A_302 = arith.cmpi ne, %convert_element_type3A_300, %cond3A_301 : i32
      scf.if %cond3A_302 {
        %dma_wait3A_348 = arith.constant 0 : i32
        %dma_wait3A_349 = arith.constant 0 : i32
        %dma_wait3A_350 = arith.constant 0 : i32
        %dma_wait3A_351 = tpu.memref_slice %arg11[%dma_wait3A_348, %dma_wait3A_349, %dma_wait3A_350] : memref<2x128x128xf32, #tpu.memory_space<vmem>> -> memref<1x128x128xf32, #tpu.memory_space<vmem>>
        %dma_wait3A_352 = tpu.memref_squeeze %dma_wait3A_351 : memref<1x128x128xf32, #tpu.memory_space<vmem>> -> memref<128x128xf32, #tpu.memory_space<vmem>>
        %dma_wait3A_353 = arith.constant 0 : i32
        %dma_wait3A_354 = arith.constant 0 : i32
        %dma_wait3A_355 = tpu.memref_slice %arg14[%dma_wait3A_353, %dma_wait3A_354] : memref<10000x128xf32, #tpu.memory_space<vmem_shared>> -> memref<128x128xf32, #tpu.memory_space<vmem_shared>>
        %dma_wait3A_356 = arith.constant 0 : i32
        %dma_wait3A_357 = arith.constant 0 : i32
        %dma_wait3A_358 = tpu.memref_slice %arg14[%dma_wait3A_356, %dma_wait3A_357] : memref<10000x128xf32, #tpu.memory_space<vmem_shared>> -> memref<128x128xf32, #tpu.memory_space<vmem_shared>>
        %dma_wait3A_359 = arith.constant 0 : i32
        %dma_wait3A_360 = arith.constant 0 : i32
        %dma_wait3A_361 = tpu.memref_slice %arg11[%dma_wait3A_348, %dma_wait3A_359, %dma_wait3A_360] : memref<2x128x128xf32, #tpu.memory_space<vmem>> -> memref<1x128x128xf32, #tpu.memory_space<vmem>>
        %dma_wait3A_362 = tpu.memref_squeeze %dma_wait3A_361 : memref<1x128x128xf32, #tpu.memory_space<vmem>> -> memref<128x128xf32, #tpu.memory_space<vmem>>
        tpu.wait_dma2 semaphore(%arg18 : memref<!tpu.dma_semaphore, #tpu.memory_space<semaphore_mem>>) src(%dma_wait3A_362 : memref<128x128xf32, #tpu.memory_space<vmem>>) dst(%dma_wait3A_358 : memref<128x128xf32, #tpu.memory_space<vmem_shared>>)
        %eq3A_363 = arith.constant 1 : i32
        %eq3A_364 = arith.cmpi eq, %arg0, %eq3A_363 : i32
        %convert_element_type3A_365 = arith.extui %eq3A_364 : i1 to i32
        %cond3A_366 = arith.constant 0 : i32
        %cond3A_367 = arith.cmpi ne, %convert_element_type3A_365, %cond3A_366 : i32
        scf.if %cond3A_367 {
          %dma_wait3A_368 = arith.constant 0 : i32
          %dma_wait3A_369 = tpu.memref_slice %arg13[%dma_wait3A_368] : memref<640xf32, #tpu.memory_space<vmem>> -> memref<128xf32, #tpu.memory_space<vmem>>
          %dma_wait3A_370 = arith.constant 0 : i32
          %dma_wait3A_371 = tpu.memref_slice %arg15[%dma_wait3A_370] : memref<10000xf32, #tpu.memory_space<vmem_shared>> -> memref<128xf32, #tpu.memory_space<vmem_shared>>
          %dma_wait3A_372 = arith.constant 0 : i32
          %dma_wait3A_373 = tpu.memref_slice %arg15[%dma_wait3A_372] : memref<10000xf32, #tpu.memory_space<vmem_shared>> -> memref<128xf32, #tpu.memory_space<vmem_shared>>
          %dma_wait3A_374 = arith.constant 0 : i32
          %dma_wait3A_375 = tpu.memref_slice %arg13[%dma_wait3A_374] : memref<640xf32, #tpu.memory_space<vmem>> -> memref<128xf32, #tpu.memory_space<vmem>>
          tpu.wait_dma2 semaphore(%arg19 : memref<!tpu.dma_semaphore, #tpu.memory_space<semaphore_mem>>) src(%dma_wait3A_375 : memref<128xf32, #tpu.memory_space<vmem>>) dst(%dma_wait3A_373 : memref<128xf32, #tpu.memory_space<vmem_shared>>)
        } else {
        }
      } else {
      }
      %eq3A_303 = arith.constant 0 : i32
      %eq3A_304 = arith.cmpi eq, %rem3A_297, %eq3A_303 : i32
      %gt3A_305 = arith.constant 0 : i32
      %gt3A_306 = arith.cmpi sgt, %while3A_267, %gt3A_305 : i32
      %and3A_307 = arith.andi %eq3A_304, %gt3A_306 : i1
      %convert_element_type3A_308 = arith.extui %and3A_307 : i1 to i32
      %cond3A_309 = arith.constant 0 : i32
      %cond3A_310 = arith.cmpi ne, %convert_element_type3A_308, %cond3A_309 : i32
      scf.if %cond3A_310 {
        %dma_wait3A_348 = arith.constant 0 : i32
        %dma_wait3A_349 = arith.constant 0 : i32
        %dma_wait3A_350 = arith.constant 0 : i32
        %dma_wait3A_351 = tpu.memref_slice %arg10[%dma_wait3A_348, %dma_wait3A_349, %dma_wait3A_350] : memref<3x16x128xi32, #tpu.memory_space<vmem>> -> memref<1x16x128xi32, #tpu.memory_space<vmem>>
        %dma_wait3A_352 = tpu.memref_squeeze %dma_wait3A_351 : memref<1x16x128xi32, #tpu.memory_space<vmem>> -> memref<16x128xi32, #tpu.memory_space<vmem>>
        %dma_wait3A_353 = arith.constant 0 : i32
        %dma_wait3A_354 = arith.constant 0 : i32
        %dma_wait3A_355 = tpu.memref_slice %arg3[%dma_wait3A_353, %dma_wait3A_354] : memref<2528x128xi32, #tpu.memory_space<hbm>> -> memref<16x128xi32, #tpu.memory_space<hbm>>
        %dma_wait3A_356 = arith.constant 0 : i32
        %dma_wait3A_357 = arith.constant 0 : i32
        %dma_wait3A_358 = tpu.memref_slice %arg10[%dma_wait3A_348, %dma_wait3A_356, %dma_wait3A_357] : memref<3x16x128xi32, #tpu.memory_space<vmem>> -> memref<1x16x128xi32, #tpu.memory_space<vmem>>
        %dma_wait3A_359 = tpu.memref_squeeze %dma_wait3A_358 : memref<1x16x128xi32, #tpu.memory_space<vmem>> -> memref<16x128xi32, #tpu.memory_space<vmem>>
        %dma_wait3A_360 = arith.constant 0 : i32
        %dma_wait3A_361 = arith.constant 0 : i32
        %dma_wait3A_362 = tpu.memref_slice %arg3[%dma_wait3A_360, %dma_wait3A_361] : memref<2528x128xi32, #tpu.memory_space<hbm>> -> memref<16x128xi32, #tpu.memory_space<hbm>>
        tpu.wait_dma2 semaphore(%arg20 : memref<!tpu.dma_semaphore, #tpu.memory_space<semaphore_mem>>) src(%dma_wait3A_362 : memref<16x128xi32, #tpu.memory_space<hbm>>) dst(%dma_wait3A_359 : memref<16x128xi32, #tpu.memory_space<vmem>>)
        %eq3A_363 = arith.constant 0 : i32
        %eq3A_364 = arith.cmpi eq, %arg0, %eq3A_363 : i32
        %convert_element_type3A_365 = arith.extui %eq3A_364 : i1 to i32
        %cond3A_366 = arith.constant 0 : i32
        %cond3A_367 = arith.cmpi ne, %convert_element_type3A_365, %cond3A_366 : i32
        scf.if %cond3A_367 {
          %dma_wait3A_416 = arith.constant 0 : i32
          %dma_wait3A_417 = arith.constant 0 : i32
          %dma_wait3A_418 = arith.constant 0 : i32
          %dma_wait3A_419 = tpu.memref_slice %arg9[%dma_wait3A_416, %dma_wait3A_417, %dma_wait3A_418] : memref<3x16x128xi32, #tpu.memory_space<vmem>> -> memref<1x16x128xi32, #tpu.memory_space<vmem>>
          %dma_wait3A_420 = tpu.memref_squeeze %dma_wait3A_419 : memref<1x16x128xi32, #tpu.memory_space<vmem>> -> memref<16x128xi32, #tpu.memory_space<vmem>>
          %dma_wait3A_421 = arith.constant 0 : i32
          %dma_wait3A_422 = arith.constant 0 : i32
          %dma_wait3A_423 = tpu.memref_slice %arg2[%dma_wait3A_421, %dma_wait3A_422] : memref<2528x128xi32, #tpu.memory_space<hbm>> -> memref<16x128xi32, #tpu.memory_space<hbm>>
          %dma_wait3A_424 = arith.constant 0 : i32
          %dma_wait3A_425 = arith.constant 0 : i32
          %dma_wait3A_426 = tpu.memref_slice %arg9[%dma_wait3A_416, %dma_wait3A_424, %dma_wait3A_425] : memref<3x16x128xi32, #tpu.memory_space<vmem>> -> memref<1x16x128xi32, #tpu.memory_space<vmem>>
          %dma_wait3A_427 = tpu.memref_squeeze %dma_wait3A_426 : memref<1x16x128xi32, #tpu.memory_space<vmem>> -> memref<16x128xi32, #tpu.memory_space<vmem>>
          %dma_wait3A_428 = arith.constant 0 : i32
          %dma_wait3A_429 = arith.constant 0 : i32
          %dma_wait3A_430 = tpu.memref_slice %arg2[%dma_wait3A_428, %dma_wait3A_429] : memref<2528x128xi32, #tpu.memory_space<hbm>> -> memref<16x128xi32, #tpu.memory_space<hbm>>
          tpu.wait_dma2 semaphore(%arg20 : memref<!tpu.dma_semaphore, #tpu.memory_space<semaphore_mem>>) src(%dma_wait3A_430 : memref<16x128xi32, #tpu.memory_space<hbm>>) dst(%dma_wait3A_427 : memref<16x128xi32, #tpu.memory_space<vmem>>)
        } else {
        }
        %jit3A_368 = arith.constant 16 : i32
        %div3A_369 = arith.divsi %while3A_267, %jit3A_368 : i32
        %sign3A_370 = arith.constant 0 : i32
        %sign3A_371 = arith.cmpi sgt, %while3A_267, %sign3A_370 : i32
        %sign3A_372 = arith.extui %sign3A_371 : i1 to i32
        %sign3A_373 = arith.constant 0 : i32
        %sign3A_374 = arith.cmpi slt, %while3A_267, %sign3A_373 : i32
        %sign3A_375 = arith.extui %sign3A_374 : i1 to i32
        %sign3A_376 = arith.subi %sign3A_372, %sign3A_375 : i32
        %sign3A_377 = arith.constant 0 : i32
        %sign3A_378 = arith.cmpi sgt, %jit3A_368, %sign3A_377 : i32
        %sign3A_379 = arith.extui %sign3A_378 : i1 to i32
        %sign3A_380 = arith.constant 0 : i32
        %sign3A_381 = arith.cmpi slt, %jit3A_368, %sign3A_380 : i32
        %sign3A_382 = arith.extui %sign3A_381 : i1 to i32
        %sign3A_383 = arith.subi %sign3A_379, %sign3A_382 : i32
        %ne3A_384 = arith.cmpi ne, %sign3A_376, %sign3A_383 : i32
        %rem3A_385 = arith.remsi %while3A_267, %jit3A_368 : i32
        %ne3A_386 = arith.constant 0 : i32
        %ne3A_387 = arith.cmpi ne, %rem3A_385, %ne3A_386 : i32
        %and3A_388 = arith.andi %ne3A_384, %ne3A_387 : i1
        %sub3A_389 = arith.constant 1 : i32
        %sub3A_390 = arith.subi %div3A_369, %sub3A_389 : i32
        %select_n3A_391 = arith.select %and3A_388, %sub3A_390, %div3A_369 : i32
        %add3A_392 = arith.constant 1 : i32
        %add3A_393 = arith.addi %select_n3A_391, %add3A_392 : i32
        %rem3A_394 = arith.constant 3 : i32
        %rem3A_395 = arith.remsi %add3A_393, %rem3A_394 : i32
        %mul3A_396 = arith.constant 16 : i32
        %mul3A_397 = arith.muli %add3A_393, %mul3A_396 : i32
        %add3A_398 = arith.addi %select_n3A, %mul3A_397 : i32
        %dma_start3A_399 = arith.constant 0 : i32
        %dma_start3A_400 = arith.constant 0 : i32
        %dma_start3A_401 = tpu.memref_slice %arg10[%rem3A_395, %dma_start3A_399, %dma_start3A_400] : memref<3x16x128xi32, #tpu.memory_space<vmem>> -> memref<1x16x128xi32, #tpu.memory_space<vmem>>
        %dma_start3A_402 = tpu.memref_squeeze %dma_start3A_401 : memref<1x16x128xi32, #tpu.memory_space<vmem>> -> memref<16x128xi32, #tpu.memory_space<vmem>>
        %dma_start3A_403 = arith.constant 0 : i32
        %dma_start3A_404 = tpu.memref_slice %arg3[%add3A_398, %dma_start3A_403] : memref<2528x128xi32, #tpu.memory_space<hbm>> -> memref<16x128xi32, #tpu.memory_space<hbm>>
        %dma_start3A_405 = arith.constant 0 : i32
        %dma_start3A_406 = arith.constant 0 : i32
        %dma_start3A_407 = tpu.memref_slice %arg10[%rem3A_395, %dma_start3A_405, %dma_start3A_406] : memref<3x16x128xi32, #tpu.memory_space<vmem>> -> memref<1x16x128xi32, #tpu.memory_space<vmem>>
        %dma_start3A_408 = tpu.memref_squeeze %dma_start3A_407 : memref<1x16x128xi32, #tpu.memory_space<vmem>> -> memref<16x128xi32, #tpu.memory_space<vmem>>
        %dma_start3A_409 = arith.constant 0 : i32
        %dma_start3A_410 = tpu.memref_slice %arg3[%add3A_398, %dma_start3A_409] : memref<2528x128xi32, #tpu.memory_space<hbm>> -> memref<16x128xi32, #tpu.memory_space<hbm>>
        tpu.enqueue_dma source(%dma_start3A_410 : memref<16x128xi32, #tpu.memory_space<hbm>>) target(%dma_start3A_408 : memref<16x128xi32, #tpu.memory_space<vmem>>) target_semaphore(%arg20 : memref<!tpu.dma_semaphore, #tpu.memory_space<semaphore_mem>>)
        %eq3A_411 = arith.constant 0 : i32
        %eq3A_412 = arith.cmpi eq, %arg0, %eq3A_411 : i32
        %convert_element_type3A_413 = arith.extui %eq3A_412 : i1 to i32
        %cond3A_414 = arith.constant 0 : i32
        %cond3A_415 = arith.cmpi ne, %convert_element_type3A_413, %cond3A_414 : i32
        scf.if %cond3A_415 {
          %dma_start3A_416 = arith.constant 0 : i32
          %dma_start3A_417 = arith.constant 0 : i32
          %dma_start3A_418 = tpu.memref_slice %arg9[%rem3A_395, %dma_start3A_416, %dma_start3A_417] : memref<3x16x128xi32, #tpu.memory_space<vmem>> -> memref<1x16x128xi32, #tpu.memory_space<vmem>>
          %dma_start3A_419 = tpu.memref_squeeze %dma_start3A_418 : memref<1x16x128xi32, #tpu.memory_space<vmem>> -> memref<16x128xi32, #tpu.memory_space<vmem>>
          %dma_start3A_420 = arith.constant 0 : i32
          %dma_start3A_421 = tpu.memref_slice %arg2[%add3A_398, %dma_start3A_420] : memref<2528x128xi32, #tpu.memory_space<hbm>> -> memref<16x128xi32, #tpu.memory_space<hbm>>
          %dma_start3A_422 = arith.constant 0 : i32
          %dma_start3A_423 = arith.constant 0 : i32
          %dma_start3A_424 = tpu.memref_slice %arg9[%rem3A_395, %dma_start3A_422, %dma_start3A_423] : memref<3x16x128xi32, #tpu.memory_space<vmem>> -> memref<1x16x128xi32, #tpu.memory_space<vmem>>
          %dma_start3A_425 = tpu.memref_squeeze %dma_start3A_424 : memref<1x16x128xi32, #tpu.memory_space<vmem>> -> memref<16x128xi32, #tpu.memory_space<vmem>>
          %dma_start3A_426 = arith.constant 0 : i32
          %dma_start3A_427 = tpu.memref_slice %arg2[%add3A_398, %dma_start3A_426] : memref<2528x128xi32, #tpu.memory_space<hbm>> -> memref<16x128xi32, #tpu.memory_space<hbm>>
          tpu.enqueue_dma source(%dma_start3A_427 : memref<16x128xi32, #tpu.memory_space<hbm>>) target(%dma_start3A_425 : memref<16x128xi32, #tpu.memory_space<vmem>>) target_semaphore(%arg20 : memref<!tpu.dma_semaphore, #tpu.memory_space<semaphore_mem>>)
        } else {
        }
      } else {
      }
      %eq3A_311 = arith.constant 0 : i32
      %eq3A_312 = arith.cmpi eq, %arg0, %eq3A_311 : i32
      %eq3A_313 = arith.constant 0 : i32
      %eq3A_314 = arith.cmpi eq, %rem3A_269, %eq3A_313 : i32
      %and3A_315 = arith.andi %eq3A_312, %eq3A_314 : i1
      %convert_element_type3A_316 = arith.extui %and3A_315 : i1 to i32
      %cond3A_317 = arith.constant 0 : i32
      %cond3A_318 = arith.cmpi ne, %convert_element_type3A_316, %cond3A_317 : i32
      scf.if %cond3A_318 {
        %dma_start3A_348 = arith.constant 0 : i32
        %dma_start3A_349 = arith.constant 0 : i32
        %dma_start3A_350 = arith.constant 0 : i32
        %dma_start3A_351 = tpu.memref_slice %arg11[%dma_start3A_348, %dma_start3A_349, %dma_start3A_350] : memref<2x128x128xf32, #tpu.memory_space<vmem>> -> memref<1x128x128xf32, #tpu.memory_space<vmem>>
        %dma_start3A_352 = tpu.memref_squeeze %dma_start3A_351 : memref<1x128x128xf32, #tpu.memory_space<vmem>> -> memref<128x128xf32, #tpu.memory_space<vmem>>
        %dma_start3A_353 = arith.constant 0 : i32
        %dma_start3A_354 = tpu.memref_slice %arg9[%rem3A_295, %rem3A_297, %dma_start3A_353] : memref<3x16x128xi32, #tpu.memory_space<vmem>> -> memref<1x1x128xi32, #tpu.memory_space<vmem>>
        %dma_start3A_355 = tpu.memref_squeeze %dma_start3A_354 : memref<1x1x128xi32, #tpu.memory_space<vmem>> -> memref<128xi32, #tpu.memory_space<vmem>>
        %dma_start3A_356 = arith.constant 0 : i32
        %dma_start3A_357 = arith.constant 0 : i32
        %dma_start3A_358 = tpu.memref_slice %arg4[%dma_start3A_356, %dma_start3A_357] : memref<10000x128xf32, #tpu.memory_space<hbm>> -> memref<10000x128xf32, #tpu.memory_space<hbm>>
        tpu.enqueue_indirect_dma source(%dma_start3A_358 : memref<10000x128xf32, #tpu.memory_space<hbm>>) target(%dma_start3A_352 : memref<128x128xf32, #tpu.memory_space<vmem>>) offsets(%dma_start3A_355 : memref<128xi32, #tpu.memory_space<vmem>>) semaphore(%arg16 : memref<!tpu.dma_semaphore, #tpu.memory_space<semaphore_mem>>)
      } else {
      }
      %eq3A_319 = arith.constant 0 : i32
      %eq3A_320 = arith.cmpi eq, %arg0, %eq3A_319 : i32
      %eq3A_321 = arith.constant 1 : i32
      %eq3A_322 = arith.cmpi eq, %rem3A_269, %eq3A_321 : i32
      %and3A_323 = arith.andi %eq3A_320, %eq3A_322 : i1
      %convert_element_type3A_324 = arith.extui %and3A_323 : i1 to i32
      %cond3A_325 = arith.constant 0 : i32
      %cond3A_326 = arith.cmpi ne, %convert_element_type3A_324, %cond3A_325 : i32
      scf.if %cond3A_326 {
        %dma_start3A_348 = arith.constant 1 : i32
        %dma_start3A_349 = arith.constant 0 : i32
        %dma_start3A_350 = arith.constant 0 : i32
        %dma_start3A_351 = tpu.memref_slice %arg11[%dma_start3A_348, %dma_start3A_349, %dma_start3A_350] : memref<2x128x128xf32, #tpu.memory_space<vmem>> -> memref<1x128x128xf32, #tpu.memory_space<vmem>>
        %dma_start3A_352 = tpu.memref_squeeze %dma_start3A_351 : memref<1x128x128xf32, #tpu.memory_space<vmem>> -> memref<128x128xf32, #tpu.memory_space<vmem>>
        %dma_start3A_353 = arith.constant 0 : i32
        %dma_start3A_354 = tpu.memref_slice %arg9[%rem3A_295, %rem3A_297, %dma_start3A_353] : memref<3x16x128xi32, #tpu.memory_space<vmem>> -> memref<1x1x128xi32, #tpu.memory_space<vmem>>
        %dma_start3A_355 = tpu.memref_squeeze %dma_start3A_354 : memref<1x1x128xi32, #tpu.memory_space<vmem>> -> memref<128xi32, #tpu.memory_space<vmem>>
        %dma_start3A_356 = arith.constant 0 : i32
        %dma_start3A_357 = arith.constant 0 : i32
        %dma_start3A_358 = tpu.memref_slice %arg4[%dma_start3A_356, %dma_start3A_357] : memref<10000x128xf32, #tpu.memory_space<hbm>> -> memref<10000x128xf32, #tpu.memory_space<hbm>>
        tpu.enqueue_indirect_dma source(%dma_start3A_358 : memref<10000x128xf32, #tpu.memory_space<hbm>>) target(%dma_start3A_352 : memref<128x128xf32, #tpu.memory_space<vmem>>) offsets(%dma_start3A_355 : memref<128xi32, #tpu.memory_space<vmem>>) semaphore(%arg17 : memref<!tpu.dma_semaphore, #tpu.memory_space<semaphore_mem>>)
      } else {
      }
      %eq3A_327 = arith.constant 1 : i32
      %eq3A_328 = arith.cmpi eq, %arg0, %eq3A_327 : i32
      %eq3A_329 = arith.constant 0 : i32
      %eq3A_330 = arith.cmpi eq, %rem3A_269, %eq3A_329 : i32
      %and3A_331 = arith.andi %eq3A_328, %eq3A_330 : i1
      %convert_element_type3A_332 = arith.extui %and3A_331 : i1 to i32
      %cond3A_333 = arith.constant 0 : i32
      %cond3A_334 = arith.cmpi ne, %convert_element_type3A_332, %cond3A_333 : i32
      scf.if %cond3A_334 {
        %mul3A_348 = arith.constant 128 : i32
        %mul3A_349 = arith.muli %add3A_298, %mul3A_348 : i32
        %dma_start3A_350 = arith.constant 0 : i32
        %dma_start3A_351 = arith.constant 0 : i32
        %dma_start3A_352 = arith.constant 0 : i32
        %dma_start3A_353 = tpu.memref_slice %arg11[%dma_start3A_350, %dma_start3A_351, %dma_start3A_352] : memref<2x128x128xf32, #tpu.memory_space<vmem>> -> memref<1x128x128xf32, #tpu.memory_space<vmem>>
        %dma_start3A_354 = tpu.memref_squeeze %dma_start3A_353 : memref<1x128x128xf32, #tpu.memory_space<vmem>> -> memref<128x128xf32, #tpu.memory_space<vmem>>
        %dma_start3A_355 = arith.constant 0 : i32
        %dma_start3A_356 = tpu.memref_slice %arg5[%mul3A_349, %dma_start3A_355] : memref<320000x128xf32, #tpu.memory_space<hbm>> -> memref<128x128xf32, #tpu.memory_space<hbm>>
        %dma_start3A_357 = arith.constant 0 : i32
        %dma_start3A_358 = arith.constant 0 : i32
        %dma_start3A_359 = tpu.memref_slice %arg11[%dma_start3A_350, %dma_start3A_357, %dma_start3A_358] : memref<2x128x128xf32, #tpu.memory_space<vmem>> -> memref<1x128x128xf32, #tpu.memory_space<vmem>>
        %dma_start3A_360 = tpu.memref_squeeze %dma_start3A_359 : memref<1x128x128xf32, #tpu.memory_space<vmem>> -> memref<128x128xf32, #tpu.memory_space<vmem>>
        %dma_start3A_361 = arith.constant 0 : i32
        %dma_start3A_362 = tpu.memref_slice %arg5[%mul3A_349, %dma_start3A_361] : memref<320000x128xf32, #tpu.memory_space<hbm>> -> memref<128x128xf32, #tpu.memory_space<hbm>>
        tpu.enqueue_dma source(%dma_start3A_362 : memref<128x128xf32, #tpu.memory_space<hbm>>) target(%dma_start3A_360 : memref<128x128xf32, #tpu.memory_space<vmem>>) target_semaphore(%arg16 : memref<!tpu.dma_semaphore, #tpu.memory_space<semaphore_mem>>)
      } else {
      }
      %eq3A_335 = arith.constant 1 : i32
      %eq3A_336 = arith.cmpi eq, %arg0, %eq3A_335 : i32
      %eq3A_337 = arith.constant 1 : i32
      %eq3A_338 = arith.cmpi eq, %rem3A_269, %eq3A_337 : i32
      %and3A_339 = arith.andi %eq3A_336, %eq3A_338 : i1
      %convert_element_type3A_340 = arith.extui %and3A_339 : i1 to i32
      %cond3A_341 = arith.constant 0 : i32
      %cond3A_342 = arith.cmpi ne, %convert_element_type3A_340, %cond3A_341 : i32
      scf.if %cond3A_342 {
        %mul3A_348 = arith.constant 128 : i32
        %mul3A_349 = arith.muli %add3A_298, %mul3A_348 : i32
        %dma_start3A_350 = arith.constant 1 : i32
        %dma_start3A_351 = arith.constant 0 : i32
        %dma_start3A_352 = arith.constant 0 : i32
        %dma_start3A_353 = tpu.memref_slice %arg11[%dma_start3A_350, %dma_start3A_351, %dma_start3A_352] : memref<2x128x128xf32, #tpu.memory_space<vmem>> -> memref<1x128x128xf32, #tpu.memory_space<vmem>>
        %dma_start3A_354 = tpu.memref_squeeze %dma_start3A_353 : memref<1x128x128xf32, #tpu.memory_space<vmem>> -> memref<128x128xf32, #tpu.memory_space<vmem>>
        %dma_start3A_355 = arith.constant 0 : i32
        %dma_start3A_356 = tpu.memref_slice %arg5[%mul3A_349, %dma_start3A_355] : memref<320000x128xf32, #tpu.memory_space<hbm>> -> memref<128x128xf32, #tpu.memory_space<hbm>>
        %dma_start3A_357 = arith.constant 0 : i32
        %dma_start3A_358 = arith.constant 0 : i32
        %dma_start3A_359 = tpu.memref_slice %arg11[%dma_start3A_350, %dma_start3A_357, %dma_start3A_358] : memref<2x128x128xf32, #tpu.memory_space<vmem>> -> memref<1x128x128xf32, #tpu.memory_space<vmem>>
        %dma_start3A_360 = tpu.memref_squeeze %dma_start3A_359 : memref<1x128x128xf32, #tpu.memory_space<vmem>> -> memref<128x128xf32, #tpu.memory_space<vmem>>
        %dma_start3A_361 = arith.constant 0 : i32
        %dma_start3A_362 = tpu.memref_slice %arg5[%mul3A_349, %dma_start3A_361] : memref<320000x128xf32, #tpu.memory_space<hbm>> -> memref<128x128xf32, #tpu.memory_space<hbm>>
        tpu.enqueue_dma source(%dma_start3A_362 : memref<128x128xf32, #tpu.memory_space<hbm>>) target(%dma_start3A_360 : memref<128x128xf32, #tpu.memory_space<vmem>>) target_semaphore(%arg17 : memref<!tpu.dma_semaphore, #tpu.memory_space<semaphore_mem>>)
      } else {
      }
      %gt3A_343 = arith.constant 0 : i32
      %gt3A_344 = arith.cmpi sgt, %while3A_267, %gt3A_343 : i32
      %convert_element_type3A_345 = arith.extui %gt3A_344 : i1 to i32
      %cond3A_346 = arith.constant 0 : i32
      %cond3A_347 = arith.cmpi ne, %convert_element_type3A_345, %cond3A_346 : i32
      scf.if %cond3A_347 {
        %sub3A_348 = arith.constant 1 : i32
        %sub3A_349 = arith.subi %while3A_267, %sub3A_348 : i32
        %rem3A_350 = arith.constant 2 : i32
        %rem3A_351 = arith.remsi %sub3A_349, %rem3A_350 : i32
        %eq3A_352 = arith.constant 0 : i32
        %eq3A_353 = arith.cmpi eq, %rem3A_351, %eq3A_352 : i32
        %convert_element_type3A_354 = arith.extui %eq3A_353 : i1 to i32
        %cond3A_355 = arith.constant 0 : i32
        %cond3A_356 = arith.cmpi ne, %convert_element_type3A_354, %cond3A_355 : i32
        scf.if %cond3A_356 {
          %dma_wait3A_411 = arith.constant 0 : i32
          %dma_wait3A_412 = arith.constant 0 : i32
          %dma_wait3A_413 = arith.constant 0 : i32
          %dma_wait3A_414 = tpu.memref_slice %arg11[%dma_wait3A_411, %dma_wait3A_412, %dma_wait3A_413] : memref<2x128x128xf32, #tpu.memory_space<vmem>> -> memref<1x128x128xf32, #tpu.memory_space<vmem>>
          %dma_wait3A_415 = tpu.memref_squeeze %dma_wait3A_414 : memref<1x128x128xf32, #tpu.memory_space<vmem>> -> memref<128x128xf32, #tpu.memory_space<vmem>>
          %dma_wait3A_416 = arith.constant 0 : i32
          %dma_wait3A_417 = arith.constant 0 : i32
          %dma_wait3A_418 = tpu.memref_slice %arg14[%dma_wait3A_416, %dma_wait3A_417] : memref<10000x128xf32, #tpu.memory_space<vmem_shared>> -> memref<128x128xf32, #tpu.memory_space<vmem_shared>>
          %dma_wait3A_419 = arith.constant 0 : i32
          %dma_wait3A_420 = arith.constant 0 : i32
          %dma_wait3A_421 = tpu.memref_slice %arg14[%dma_wait3A_419, %dma_wait3A_420] : memref<10000x128xf32, #tpu.memory_space<vmem_shared>> -> memref<128x128xf32, #tpu.memory_space<vmem_shared>>
          %dma_wait3A_422 = arith.constant 0 : i32
          %dma_wait3A_423 = arith.constant 0 : i32
          %dma_wait3A_424 = tpu.memref_slice %arg11[%dma_wait3A_411, %dma_wait3A_422, %dma_wait3A_423] : memref<2x128x128xf32, #tpu.memory_space<vmem>> -> memref<1x128x128xf32, #tpu.memory_space<vmem>>
          %dma_wait3A_425 = tpu.memref_squeeze %dma_wait3A_424 : memref<1x128x128xf32, #tpu.memory_space<vmem>> -> memref<128x128xf32, #tpu.memory_space<vmem>>
          tpu.wait_dma2 semaphore(%arg16 : memref<!tpu.dma_semaphore, #tpu.memory_space<semaphore_mem>>) src(%dma_wait3A_425 : memref<128x128xf32, #tpu.memory_space<vmem>>) dst(%dma_wait3A_421 : memref<128x128xf32, #tpu.memory_space<vmem_shared>>)
        } else {
        }
        %rem3A_357 = arith.constant 2 : i32
        %rem3A_358 = arith.remsi %sub3A_349, %rem3A_357 : i32
        %eq3A_359 = arith.constant 1 : i32
        %eq3A_360 = arith.cmpi eq, %rem3A_358, %eq3A_359 : i32
        %convert_element_type3A_361 = arith.extui %eq3A_360 : i1 to i32
        %cond3A_362 = arith.constant 0 : i32
        %cond3A_363 = arith.cmpi ne, %convert_element_type3A_361, %cond3A_362 : i32
        scf.if %cond3A_363 {
          %dma_wait3A_411 = arith.constant 0 : i32
          %dma_wait3A_412 = arith.constant 0 : i32
          %dma_wait3A_413 = arith.constant 0 : i32
          %dma_wait3A_414 = tpu.memref_slice %arg11[%dma_wait3A_411, %dma_wait3A_412, %dma_wait3A_413] : memref<2x128x128xf32, #tpu.memory_space<vmem>> -> memref<1x128x128xf32, #tpu.memory_space<vmem>>
          %dma_wait3A_415 = tpu.memref_squeeze %dma_wait3A_414 : memref<1x128x128xf32, #tpu.memory_space<vmem>> -> memref<128x128xf32, #tpu.memory_space<vmem>>
          %dma_wait3A_416 = arith.constant 0 : i32
          %dma_wait3A_417 = arith.constant 0 : i32
          %dma_wait3A_418 = tpu.memref_slice %arg14[%dma_wait3A_416, %dma_wait3A_417] : memref<10000x128xf32, #tpu.memory_space<vmem_shared>> -> memref<128x128xf32, #tpu.memory_space<vmem_shared>>
          %dma_wait3A_419 = arith.constant 0 : i32
          %dma_wait3A_420 = arith.constant 0 : i32
          %dma_wait3A_421 = tpu.memref_slice %arg14[%dma_wait3A_419, %dma_wait3A_420] : memref<10000x128xf32, #tpu.memory_space<vmem_shared>> -> memref<128x128xf32, #tpu.memory_space<vmem_shared>>
          %dma_wait3A_422 = arith.constant 0 : i32
          %dma_wait3A_423 = arith.constant 0 : i32
          %dma_wait3A_424 = tpu.memref_slice %arg11[%dma_wait3A_411, %dma_wait3A_422, %dma_wait3A_423] : memref<2x128x128xf32, #tpu.memory_space<vmem>> -> memref<1x128x128xf32, #tpu.memory_space<vmem>>
          %dma_wait3A_425 = tpu.memref_squeeze %dma_wait3A_424 : memref<1x128x128xf32, #tpu.memory_space<vmem>> -> memref<128x128xf32, #tpu.memory_space<vmem>>
          tpu.wait_dma2 semaphore(%arg17 : memref<!tpu.dma_semaphore, #tpu.memory_space<semaphore_mem>>) src(%dma_wait3A_425 : memref<128x128xf32, #tpu.memory_space<vmem>>) dst(%dma_wait3A_421 : memref<128x128xf32, #tpu.memory_space<vmem_shared>>)
        } else {
        }
        %sub3A_364 = arith.constant 1 : i32
        %sub3A_365 = arith.subi %while3A_267, %sub3A_364 : i32
        %rem3A_366 = arith.constant 2 : i32
        %rem3A_367 = arith.remsi %sub3A_365, %rem3A_366 : i32
        %jit3A_368 = arith.constant 16 : i32
        %div3A_369 = arith.divsi %sub3A_365, %jit3A_368 : i32
        %sign3A_370 = arith.constant 0 : i32
        %sign3A_371 = arith.cmpi sgt, %sub3A_365, %sign3A_370 : i32
        %sign3A_372 = arith.extui %sign3A_371 : i1 to i32
        %sign3A_373 = arith.constant 0 : i32
        %sign3A_374 = arith.cmpi slt, %sub3A_365, %sign3A_373 : i32
        %sign3A_375 = arith.extui %sign3A_374 : i1 to i32
        %sign3A_376 = arith.subi %sign3A_372, %sign3A_375 : i32
        %sign3A_377 = arith.constant 0 : i32
        %sign3A_378 = arith.cmpi sgt, %jit3A_368, %sign3A_377 : i32
        %sign3A_379 = arith.extui %sign3A_378 : i1 to i32
        %sign3A_380 = arith.constant 0 : i32
        %sign3A_381 = arith.cmpi slt, %jit3A_368, %sign3A_380 : i32
        %sign3A_382 = arith.extui %sign3A_381 : i1 to i32
        %sign3A_383 = arith.subi %sign3A_379, %sign3A_382 : i32
        %ne3A_384 = arith.cmpi ne, %sign3A_376, %sign3A_383 : i32
        %rem3A_385 = arith.remsi %sub3A_365, %jit3A_368 : i32
        %ne3A_386 = arith.constant 0 : i32
        %ne3A_387 = arith.cmpi ne, %rem3A_385, %ne3A_386 : i32
        %and3A_388 = arith.andi %ne3A_384, %ne3A_387 : i1
        %sub3A_389 = arith.constant 1 : i32
        %sub3A_390 = arith.subi %div3A_369, %sub3A_389 : i32
        %select_n3A_391 = arith.select %and3A_388, %sub3A_390, %div3A_369 : i32
        %rem3A_392 = arith.constant 3 : i32
        %rem3A_393 = arith.remsi %select_n3A_391, %rem3A_392 : i32
        %rem3A_394 = arith.constant 16 : i32
        %rem3A_395 = arith.remsi %sub3A_365, %rem3A_394 : i32
        %dma_start3A_396 = arith.constant 0 : i32
        %dma_start3A_397 = arith.constant 0 : i32
        %dma_start3A_398 = tpu.memref_slice %arg11[%rem3A_367, %dma_start3A_396, %dma_start3A_397] : memref<2x128x128xf32, #tpu.memory_space<vmem>> -> memref<1x128x128xf32, #tpu.memory_space<vmem>>
        %dma_start3A_399 = tpu.memref_squeeze %dma_start3A_398 : memref<1x128x128xf32, #tpu.memory_space<vmem>> -> memref<128x128xf32, #tpu.memory_space<vmem>>
        %dma_start3A_400 = arith.constant 0 : i32
        %dma_start3A_401 = tpu.memref_slice %arg10[%rem3A_393, %rem3A_395, %dma_start3A_400] : memref<3x16x128xi32, #tpu.memory_space<vmem>> -> memref<1x1x128xi32, #tpu.memory_space<vmem>>
        %dma_start3A_402 = tpu.memref_squeeze %dma_start3A_401 : memref<1x1x128xi32, #tpu.memory_space<vmem>> -> memref<128xi32, #tpu.memory_space<vmem>>
        %dma_start3A_403 = arith.constant 0 : i32
        %dma_start3A_404 = arith.constant 0 : i32
        %dma_start3A_405 = tpu.memref_slice %arg14[%dma_start3A_403, %dma_start3A_404] : memref<10000x128xf32, #tpu.memory_space<vmem_shared>> -> memref<10000x128xf32, #tpu.memory_space<vmem_shared>>
        tpu.enqueue_indirect_dma source(%dma_start3A_399 : memref<128x128xf32, #tpu.memory_space<vmem>>) target(%dma_start3A_405 : memref<10000x128xf32, #tpu.memory_space<vmem_shared>>) offsets(%dma_start3A_402 : memref<128xi32, #tpu.memory_space<vmem>>) semaphore(%arg18 : memref<!tpu.dma_semaphore, #tpu.memory_space<semaphore_mem>>) {add = true}
        %eq3A_406 = arith.constant 1 : i32
        %eq3A_407 = arith.cmpi eq, %arg0, %eq3A_406 : i32
        %convert_element_type3A_408 = arith.extui %eq3A_407 : i1 to i32
        %cond3A_409 = arith.constant 0 : i32
        %cond3A_410 = arith.cmpi ne, %convert_element_type3A_408, %cond3A_409 : i32
        scf.if %cond3A_410 {
          %dma_start3A_411 = arith.constant 0 : i32
          %dma_start3A_412 = tpu.memref_slice %arg10[%rem3A_393, %rem3A_395, %dma_start3A_411] : memref<3x16x128xi32, #tpu.memory_space<vmem>> -> memref<1x1x128xi32, #tpu.memory_space<vmem>>
          %dma_start3A_413 = tpu.memref_squeeze %dma_start3A_412 : memref<1x1x128xi32, #tpu.memory_space<vmem>> -> memref<128xi32, #tpu.memory_space<vmem>>
          %dma_start3A_414 = arith.constant 0 : i32
          %dma_start3A_415 = tpu.memref_slice %arg15[%dma_start3A_414] : memref<10000xf32, #tpu.memory_space<vmem_shared>> -> memref<10000xf32, #tpu.memory_space<vmem_shared>>
          tpu.enqueue_indirect_dma source(%arg12 : memref<128xf32, #tpu.memory_space<vmem>>) target(%dma_start3A_415 : memref<10000xf32, #tpu.memory_space<vmem_shared>>) offsets(%dma_start3A_413 : memref<128xi32, #tpu.memory_space<vmem>>) semaphore(%arg19 : memref<!tpu.dma_semaphore, #tpu.memory_space<semaphore_mem>>) {add = true}
        } else {
        }
      } else {
      }
    }
    %while3A_138 = arith.constant 1 : i32
    scf.for %while3A_267 = %while3A_136 to %while3A_132 step %while3A_138  : i32 {
      %rem3A_268 = arith.constant 2 : i32
      %rem3A_269 = arith.remsi %while3A_267, %rem3A_268 : i32
      %jit3A_270 = arith.constant 16 : i32
      %div3A_271 = arith.divsi %while3A_267, %jit3A_270 : i32
      %sign3A_272 = arith.constant 0 : i32
      %sign3A_273 = arith.cmpi sgt, %while3A_267, %sign3A_272 : i32
      %sign3A_274 = arith.extui %sign3A_273 : i1 to i32
      %sign3A_275 = arith.constant 0 : i32
      %sign3A_276 = arith.cmpi slt, %while3A_267, %sign3A_275 : i32
      %sign3A_277 = arith.extui %sign3A_276 : i1 to i32
      %sign3A_278 = arith.subi %sign3A_274, %sign3A_277 : i32
      %sign3A_279 = arith.constant 0 : i32
      %sign3A_280 = arith.cmpi sgt, %jit3A_270, %sign3A_279 : i32
      %sign3A_281 = arith.extui %sign3A_280 : i1 to i32
      %sign3A_282 = arith.constant 0 : i32
      %sign3A_283 = arith.cmpi slt, %jit3A_270, %sign3A_282 : i32
      %sign3A_284 = arith.extui %sign3A_283 : i1 to i32
      %sign3A_285 = arith.subi %sign3A_281, %sign3A_284 : i32
      %ne3A_286 = arith.cmpi ne, %sign3A_278, %sign3A_285 : i32
      %rem3A_287 = arith.remsi %while3A_267, %jit3A_270 : i32
      %ne3A_288 = arith.constant 0 : i32
      %ne3A_289 = arith.cmpi ne, %rem3A_287, %ne3A_288 : i32
      %and3A_290 = arith.andi %ne3A_286, %ne3A_289 : i1
      %sub3A_291 = arith.constant 1 : i32
      %sub3A_292 = arith.subi %div3A_271, %sub3A_291 : i32
      %select_n3A_293 = arith.select %and3A_290, %sub3A_292, %div3A_271 : i32
      %rem3A_294 = arith.constant 3 : i32
      %rem3A_295 = arith.remsi %select_n3A_293, %rem3A_294 : i32
      %rem3A_296 = arith.constant 16 : i32
      %rem3A_297 = arith.remsi %while3A_267, %rem3A_296 : i32
      %add3A_298 = arith.addi %select_n3A, %while3A_267 : i32
      %gt3A = arith.constant 1 : i32
      %gt3A_299 = arith.cmpi sgt, %while3A_267, %gt3A : i32
      %convert_element_type3A_300 = arith.extui %gt3A_299 : i1 to i32
      %cond3A_301 = arith.constant 0 : i32
      %cond3A_302 = arith.cmpi ne, %convert_element_type3A_300, %cond3A_301 : i32
      scf.if %cond3A_302 {
        %dma_wait3A_348 = arith.constant 0 : i32
        %dma_wait3A_349 = arith.constant 0 : i32
        %dma_wait3A_350 = arith.constant 0 : i32
        %dma_wait3A_351 = tpu.memref_slice %arg11[%dma_wait3A_348, %dma_wait3A_349, %dma_wait3A_350] : memref<2x128x128xf32, #tpu.memory_space<vmem>> -> memref<1x128x128xf32, #tpu.memory_space<vmem>>
        %dma_wait3A_352 = tpu.memref_squeeze %dma_wait3A_351 : memref<1x128x128xf32, #tpu.memory_space<vmem>> -> memref<128x128xf32, #tpu.memory_space<vmem>>
        %dma_wait3A_353 = arith.constant 0 : i32
        %dma_wait3A_354 = arith.constant 0 : i32
        %dma_wait3A_355 = tpu.memref_slice %arg14[%dma_wait3A_353, %dma_wait3A_354] : memref<10000x128xf32, #tpu.memory_space<vmem_shared>> -> memref<128x128xf32, #tpu.memory_space<vmem_shared>>
        %dma_wait3A_356 = arith.constant 0 : i32
        %dma_wait3A_357 = arith.constant 0 : i32
        %dma_wait3A_358 = tpu.memref_slice %arg14[%dma_wait3A_356, %dma_wait3A_357] : memref<10000x128xf32, #tpu.memory_space<vmem_shared>> -> memref<128x128xf32, #tpu.memory_space<vmem_shared>>
        %dma_wait3A_359 = arith.constant 0 : i32
        %dma_wait3A_360 = arith.constant 0 : i32
        %dma_wait3A_361 = tpu.memref_slice %arg11[%dma_wait3A_348, %dma_wait3A_359, %dma_wait3A_360] : memref<2x128x128xf32, #tpu.memory_space<vmem>> -> memref<1x128x128xf32, #tpu.memory_space<vmem>>
        %dma_wait3A_362 = tpu.memref_squeeze %dma_wait3A_361 : memref<1x128x128xf32, #tpu.memory_space<vmem>> -> memref<128x128xf32, #tpu.memory_space<vmem>>
        tpu.wait_dma2 semaphore(%arg18 : memref<!tpu.dma_semaphore, #tpu.memory_space<semaphore_mem>>) src(%dma_wait3A_362 : memref<128x128xf32, #tpu.memory_space<vmem>>) dst(%dma_wait3A_358 : memref<128x128xf32, #tpu.memory_space<vmem_shared>>)
        %eq3A_363 = arith.constant 1 : i32
        %eq3A_364 = arith.cmpi eq, %arg0, %eq3A_363 : i32
        %convert_element_type3A_365 = arith.extui %eq3A_364 : i1 to i32
        %cond3A_366 = arith.constant 0 : i32
        %cond3A_367 = arith.cmpi ne, %convert_element_type3A_365, %cond3A_366 : i32
        scf.if %cond3A_367 {
          %dma_wait3A_368 = arith.constant 0 : i32
          %dma_wait3A_369 = tpu.memref_slice %arg13[%dma_wait3A_368] : memref<640xf32, #tpu.memory_space<vmem>> -> memref<128xf32, #tpu.memory_space<vmem>>
          %dma_wait3A_370 = arith.constant 0 : i32
          %dma_wait3A_371 = tpu.memref_slice %arg15[%dma_wait3A_370] : memref<10000xf32, #tpu.memory_space<vmem_shared>> -> memref<128xf32, #tpu.memory_space<vmem_shared>>
          %dma_wait3A_372 = arith.constant 0 : i32
          %dma_wait3A_373 = tpu.memref_slice %arg15[%dma_wait3A_372] : memref<10000xf32, #tpu.memory_space<vmem_shared>> -> memref<128xf32, #tpu.memory_space<vmem_shared>>
          %dma_wait3A_374 = arith.constant 0 : i32
          %dma_wait3A_375 = tpu.memref_slice %arg13[%dma_wait3A_374] : memref<640xf32, #tpu.memory_space<vmem>> -> memref<128xf32, #tpu.memory_space<vmem>>
          tpu.wait_dma2 semaphore(%arg19 : memref<!tpu.dma_semaphore, #tpu.memory_space<semaphore_mem>>) src(%dma_wait3A_375 : memref<128xf32, #tpu.memory_space<vmem>>) dst(%dma_wait3A_373 : memref<128xf32, #tpu.memory_space<vmem_shared>>)
        } else {
        }
      } else {
      }
      %eq3A_303 = arith.constant 0 : i32
      %eq3A_304 = arith.cmpi eq, %rem3A_297, %eq3A_303 : i32
      %gt3A_305 = arith.constant 0 : i32
      %gt3A_306 = arith.cmpi sgt, %while3A_267, %gt3A_305 : i32
      %and3A_307 = arith.andi %eq3A_304, %gt3A_306 : i1
      %convert_element_type3A_308 = arith.extui %and3A_307 : i1 to i32
      %cond3A_309 = arith.constant 0 : i32
      %cond3A_310 = arith.cmpi ne, %convert_element_type3A_308, %cond3A_309 : i32
      scf.if %cond3A_310 {
        %dma_wait3A_348 = arith.constant 0 : i32
        %dma_wait3A_349 = arith.constant 0 : i32
        %dma_wait3A_350 = arith.constant 0 : i32
        %dma_wait3A_351 = tpu.memref_slice %arg10[%dma_wait3A_348, %dma_wait3A_349, %dma_wait3A_350] : memref<3x16x128xi32, #tpu.memory_space<vmem>> -> memref<1x16x128xi32, #tpu.memory_space<vmem>>
        %dma_wait3A_352 = tpu.memref_squeeze %dma_wait3A_351 : memref<1x16x128xi32, #tpu.memory_space<vmem>> -> memref<16x128xi32, #tpu.memory_space<vmem>>
        %dma_wait3A_353 = arith.constant 0 : i32
        %dma_wait3A_354 = arith.constant 0 : i32
        %dma_wait3A_355 = tpu.memref_slice %arg3[%dma_wait3A_353, %dma_wait3A_354] : memref<2528x128xi32, #tpu.memory_space<hbm>> -> memref<16x128xi32, #tpu.memory_space<hbm>>
        %dma_wait3A_356 = arith.constant 0 : i32
        %dma_wait3A_357 = arith.constant 0 : i32
        %dma_wait3A_358 = tpu.memref_slice %arg10[%dma_wait3A_348, %dma_wait3A_356, %dma_wait3A_357] : memref<3x16x128xi32, #tpu.memory_space<vmem>> -> memref<1x16x128xi32, #tpu.memory_space<vmem>>
        %dma_wait3A_359 = tpu.memref_squeeze %dma_wait3A_358 : memref<1x16x128xi32, #tpu.memory_space<vmem>> -> memref<16x128xi32, #tpu.memory_space<vmem>>
        %dma_wait3A_360 = arith.constant 0 : i32
        %dma_wait3A_361 = arith.constant 0 : i32
        %dma_wait3A_362 = tpu.memref_slice %arg3[%dma_wait3A_360, %dma_wait3A_361] : memref<2528x128xi32, #tpu.memory_space<hbm>> -> memref<16x128xi32, #tpu.memory_space<hbm>>
        tpu.wait_dma2 semaphore(%arg20 : memref<!tpu.dma_semaphore, #tpu.memory_space<semaphore_mem>>) src(%dma_wait3A_362 : memref<16x128xi32, #tpu.memory_space<hbm>>) dst(%dma_wait3A_359 : memref<16x128xi32, #tpu.memory_space<vmem>>)
        %eq3A_363 = arith.constant 0 : i32
        %eq3A_364 = arith.cmpi eq, %arg0, %eq3A_363 : i32
        %convert_element_type3A_365 = arith.extui %eq3A_364 : i1 to i32
        %cond3A_366 = arith.constant 0 : i32
        %cond3A_367 = arith.cmpi ne, %convert_element_type3A_365, %cond3A_366 : i32
        scf.if %cond3A_367 {
          %dma_wait3A_416 = arith.constant 0 : i32
          %dma_wait3A_417 = arith.constant 0 : i32
          %dma_wait3A_418 = arith.constant 0 : i32
          %dma_wait3A_419 = tpu.memref_slice %arg9[%dma_wait3A_416, %dma_wait3A_417, %dma_wait3A_418] : memref<3x16x128xi32, #tpu.memory_space<vmem>> -> memref<1x16x128xi32, #tpu.memory_space<vmem>>
          %dma_wait3A_420 = tpu.memref_squeeze %dma_wait3A_419 : memref<1x16x128xi32, #tpu.memory_space<vmem>> -> memref<16x128xi32, #tpu.memory_space<vmem>>
          %dma_wait3A_421 = arith.constant 0 : i32
          %dma_wait3A_422 = arith.constant 0 : i32
          %dma_wait3A_423 = tpu.memref_slice %arg2[%dma_wait3A_421, %dma_wait3A_422] : memref<2528x128xi32, #tpu.memory_space<hbm>> -> memref<16x128xi32, #tpu.memory_space<hbm>>
          %dma_wait3A_424 = arith.constant 0 : i32
          %dma_wait3A_425 = arith.constant 0 : i32
          %dma_wait3A_426 = tpu.memref_slice %arg9[%dma_wait3A_416, %dma_wait3A_424, %dma_wait3A_425] : memref<3x16x128xi32, #tpu.memory_space<vmem>> -> memref<1x16x128xi32, #tpu.memory_space<vmem>>
          %dma_wait3A_427 = tpu.memref_squeeze %dma_wait3A_426 : memref<1x16x128xi32, #tpu.memory_space<vmem>> -> memref<16x128xi32, #tpu.memory_space<vmem>>
          %dma_wait3A_428 = arith.constant 0 : i32
          %dma_wait3A_429 = arith.constant 0 : i32
          %dma_wait3A_430 = tpu.memref_slice %arg2[%dma_wait3A_428, %dma_wait3A_429] : memref<2528x128xi32, #tpu.memory_space<hbm>> -> memref<16x128xi32, #tpu.memory_space<hbm>>
          tpu.wait_dma2 semaphore(%arg20 : memref<!tpu.dma_semaphore, #tpu.memory_space<semaphore_mem>>) src(%dma_wait3A_430 : memref<16x128xi32, #tpu.memory_space<hbm>>) dst(%dma_wait3A_427 : memref<16x128xi32, #tpu.memory_space<vmem>>)
        } else {
        }
        %jit3A_368 = arith.constant 16 : i32
        %div3A_369 = arith.divsi %while3A_267, %jit3A_368 : i32
        %sign3A_370 = arith.constant 0 : i32
        %sign3A_371 = arith.cmpi sgt, %while3A_267, %sign3A_370 : i32
        %sign3A_372 = arith.extui %sign3A_371 : i1 to i32
        %sign3A_373 = arith.constant 0 : i32
        %sign3A_374 = arith.cmpi slt, %while3A_267, %sign3A_373 : i32
        %sign3A_375 = arith.extui %sign3A_374 : i1 to i32
        %sign3A_376 = arith.subi %sign3A_372, %sign3A_375 : i32
        %sign3A_377 = arith.constant 0 : i32
        %sign3A_378 = arith.cmpi sgt, %jit3A_368, %sign3A_377 : i32
        %sign3A_379 = arith.extui %sign3A_378 : i1 to i32
        %sign3A_380 = arith.constant 0 : i32
        %sign3A_381 = arith.cmpi slt, %jit3A_368, %sign3A_380 : i32
        %sign3A_382 = arith.extui %sign3A_381 : i1 to i32
        %sign3A_383 = arith.subi %sign3A_379, %sign3A_382 : i32
        %ne3A_384 = arith.cmpi ne, %sign3A_376, %sign3A_383 : i32
        %rem3A_385 = arith.remsi %while3A_267, %jit3A_368 : i32
        %ne3A_386 = arith.constant 0 : i32
        %ne3A_387 = arith.cmpi ne, %rem3A_385, %ne3A_386 : i32
        %and3A_388 = arith.andi %ne3A_384, %ne3A_387 : i1
        %sub3A_389 = arith.constant 1 : i32
        %sub3A_390 = arith.subi %div3A_369, %sub3A_389 : i32
        %select_n3A_391 = arith.select %and3A_388, %sub3A_390, %div3A_369 : i32
        %add3A_392 = arith.constant 1 : i32
        %add3A_393 = arith.addi %select_n3A_391, %add3A_392 : i32
        %rem3A_394 = arith.constant 3 : i32
        %rem3A_395 = arith.remsi %add3A_393, %rem3A_394 : i32
        %mul3A_396 = arith.constant 16 : i32
        %mul3A_397 = arith.muli %add3A_393, %mul3A_396 : i32
        %add3A_398 = arith.addi %select_n3A, %mul3A_397 : i32
        %dma_start3A_399 = arith.constant 0 : i32
        %dma_start3A_400 = arith.constant 0 : i32
        %dma_start3A_401 = tpu.memref_slice %arg10[%rem3A_395, %dma_start3A_399, %dma_start3A_400] : memref<3x16x128xi32, #tpu.memory_space<vmem>> -> memref<1x16x128xi32, #tpu.memory_space<vmem>>
        %dma_start3A_402 = tpu.memref_squeeze %dma_start3A_401 : memref<1x16x128xi32, #tpu.memory_space<vmem>> -> memref<16x128xi32, #tpu.memory_space<vmem>>
        %dma_start3A_403 = arith.constant 0 : i32
        %dma_start3A_404 = tpu.memref_slice %arg3[%add3A_398, %dma_start3A_403] : memref<2528x128xi32, #tpu.memory_space<hbm>> -> memref<16x128xi32, #tpu.memory_space<hbm>>
        %dma_start3A_405 = arith.constant 0 : i32
        %dma_start3A_406 = arith.constant 0 : i32
        %dma_start3A_407 = tpu.memref_slice %arg10[%rem3A_395, %dma_start3A_405, %dma_start3A_406] : memref<3x16x128xi32, #tpu.memory_space<vmem>> -> memref<1x16x128xi32, #tpu.memory_space<vmem>>
        %dma_start3A_408 = tpu.memref_squeeze %dma_start3A_407 : memref<1x16x128xi32, #tpu.memory_space<vmem>> -> memref<16x128xi32, #tpu.memory_space<vmem>>
        %dma_start3A_409 = arith.constant 0 : i32
        %dma_start3A_410 = tpu.memref_slice %arg3[%add3A_398, %dma_start3A_409] : memref<2528x128xi32, #tpu.memory_space<hbm>> -> memref<16x128xi32, #tpu.memory_space<hbm>>
        tpu.enqueue_dma source(%dma_start3A_410 : memref<16x128xi32, #tpu.memory_space<hbm>>) target(%dma_start3A_408 : memref<16x128xi32, #tpu.memory_space<vmem>>) target_semaphore(%arg20 : memref<!tpu.dma_semaphore, #tpu.memory_space<semaphore_mem>>)
        %eq3A_411 = arith.constant 0 : i32
        %eq3A_412 = arith.cmpi eq, %arg0, %eq3A_411 : i32
        %convert_element_type3A_413 = arith.extui %eq3A_412 : i1 to i32
        %cond3A_414 = arith.constant 0 : i32
        %cond3A_415 = arith.cmpi ne, %convert_element_type3A_413, %cond3A_414 : i32
        scf.if %cond3A_415 {
          %dma_start3A_416 = arith.constant 0 : i32
          %dma_start3A_417 = arith.constant 0 : i32
          %dma_start3A_418 = tpu.memref_slice %arg9[%rem3A_395, %dma_start3A_416, %dma_start3A_417] : memref<3x16x128xi32, #tpu.memory_space<vmem>> -> memref<1x16x128xi32, #tpu.memory_space<vmem>>
          %dma_start3A_419 = tpu.memref_squeeze %dma_start3A_418 : memref<1x16x128xi32, #tpu.memory_space<vmem>> -> memref<16x128xi32, #tpu.memory_space<vmem>>
          %dma_start3A_420 = arith.constant 0 : i32
          %dma_start3A_421 = tpu.memref_slice %arg2[%add3A_398, %dma_start3A_420] : memref<2528x128xi32, #tpu.memory_space<hbm>> -> memref<16x128xi32, #tpu.memory_space<hbm>>
          %dma_start3A_422 = arith.constant 0 : i32
          %dma_start3A_423 = arith.constant 0 : i32
          %dma_start3A_424 = tpu.memref_slice %arg9[%rem3A_395, %dma_start3A_422, %dma_start3A_423] : memref<3x16x128xi32, #tpu.memory_space<vmem>> -> memref<1x16x128xi32, #tpu.memory_space<vmem>>
          %dma_start3A_425 = tpu.memref_squeeze %dma_start3A_424 : memref<1x16x128xi32, #tpu.memory_space<vmem>> -> memref<16x128xi32, #tpu.memory_space<vmem>>
          %dma_start3A_426 = arith.constant 0 : i32
          %dma_start3A_427 = tpu.memref_slice %arg2[%add3A_398, %dma_start3A_426] : memref<2528x128xi32, #tpu.memory_space<hbm>> -> memref<16x128xi32, #tpu.memory_space<hbm>>
          tpu.enqueue_dma source(%dma_start3A_427 : memref<16x128xi32, #tpu.memory_space<hbm>>) target(%dma_start3A_425 : memref<16x128xi32, #tpu.memory_space<vmem>>) target_semaphore(%arg20 : memref<!tpu.dma_semaphore, #tpu.memory_space<semaphore_mem>>)
        } else {
        }
      } else {
      }
      %eq3A_311 = arith.constant 0 : i32
      %eq3A_312 = arith.cmpi eq, %arg0, %eq3A_311 : i32
      %eq3A_313 = arith.constant 0 : i32
      %eq3A_314 = arith.cmpi eq, %rem3A_269, %eq3A_313 : i32
      %and3A_315 = arith.andi %eq3A_312, %eq3A_314 : i1
      %convert_element_type3A_316 = arith.extui %and3A_315 : i1 to i32
      %cond3A_317 = arith.constant 0 : i32
      %cond3A_318 = arith.cmpi ne, %convert_element_type3A_316, %cond3A_317 : i32
      scf.if %cond3A_318 {
        %dma_start3A_348 = arith.constant 0 : i32
        %dma_start3A_349 = arith.constant 0 : i32
        %dma_start3A_350 = arith.constant 0 : i32
        %dma_start3A_351 = tpu.memref_slice %arg11[%dma_start3A_348, %dma_start3A_349, %dma_start3A_350] : memref<2x128x128xf32, #tpu.memory_space<vmem>> -> memref<1x128x128xf32, #tpu.memory_space<vmem>>
        %dma_start3A_352 = tpu.memref_squeeze %dma_start3A_351 : memref<1x128x128xf32, #tpu.memory_space<vmem>> -> memref<128x128xf32, #tpu.memory_space<vmem>>
        %dma_start3A_353 = arith.constant 0 : i32
        %dma_start3A_354 = tpu.memref_slice %arg9[%rem3A_295, %rem3A_297, %dma_start3A_353] : memref<3x16x128xi32, #tpu.memory_space<vmem>> -> memref<1x1x128xi32, #tpu.memory_space<vmem>>
        %dma_start3A_355 = tpu.memref_squeeze %dma_start3A_354 : memref<1x1x128xi32, #tpu.memory_space<vmem>> -> memref<128xi32, #tpu.memory_space<vmem>>
        %dma_start3A_356 = arith.constant 0 : i32
        %dma_start3A_357 = arith.constant 0 : i32
        %dma_start3A_358 = tpu.memref_slice %arg4[%dma_start3A_356, %dma_start3A_357] : memref<10000x128xf32, #tpu.memory_space<hbm>> -> memref<10000x128xf32, #tpu.memory_space<hbm>>
        tpu.enqueue_indirect_dma source(%dma_start3A_358 : memref<10000x128xf32, #tpu.memory_space<hbm>>) target(%dma_start3A_352 : memref<128x128xf32, #tpu.memory_space<vmem>>) offsets(%dma_start3A_355 : memref<128xi32, #tpu.memory_space<vmem>>) semaphore(%arg16 : memref<!tpu.dma_semaphore, #tpu.memory_space<semaphore_mem>>)
      } else {
      }
      %eq3A_319 = arith.constant 0 : i32
      %eq3A_320 = arith.cmpi eq, %arg0, %eq3A_319 : i32
      %eq3A_321 = arith.constant 1 : i32
      %eq3A_322 = arith.cmpi eq, %rem3A_269, %eq3A_321 : i32
      %and3A_323 = arith.andi %eq3A_320, %eq3A_322 : i1
      %convert_element_type3A_324 = arith.extui %and3A_323 : i1 to i32
      %cond3A_325 = arith.constant 0 : i32
      %cond3A_326 = arith.cmpi ne, %convert_element_type3A_324, %cond3A_325 : i32
      scf.if %cond3A_326 {
        %dma_start3A_348 = arith.constant 1 : i32
        %dma_start3A_349 = arith.constant 0 : i32
        %dma_start3A_350 = arith.constant 0 : i32
        %dma_start3A_351 = tpu.memref_slice %arg11[%dma_start3A_348, %dma_start3A_349, %dma_start3A_350] : memref<2x128x128xf32, #tpu.memory_space<vmem>> -> memref<1x128x128xf32, #tpu.memory_space<vmem>>
        %dma_start3A_352 = tpu.memref_squeeze %dma_start3A_351 : memref<1x128x128xf32, #tpu.memory_space<vmem>> -> memref<128x128xf32, #tpu.memory_space<vmem>>
        %dma_start3A_353 = arith.constant 0 : i32
        %dma_start3A_354 = tpu.memref_slice %arg9[%rem3A_295, %rem3A_297, %dma_start3A_353] : memref<3x16x128xi32, #tpu.memory_space<vmem>> -> memref<1x1x128xi32, #tpu.memory_space<vmem>>
        %dma_start3A_355 = tpu.memref_squeeze %dma_start3A_354 : memref<1x1x128xi32, #tpu.memory_space<vmem>> -> memref<128xi32, #tpu.memory_space<vmem>>
        %dma_start3A_356 = arith.constant 0 : i32
        %dma_start3A_357 = arith.constant 0 : i32
        %dma_start3A_358 = tpu.memref_slice %arg4[%dma_start3A_356, %dma_start3A_357] : memref<10000x128xf32, #tpu.memory_space<hbm>> -> memref<10000x128xf32, #tpu.memory_space<hbm>>
        tpu.enqueue_indirect_dma source(%dma_start3A_358 : memref<10000x128xf32, #tpu.memory_space<hbm>>) target(%dma_start3A_352 : memref<128x128xf32, #tpu.memory_space<vmem>>) offsets(%dma_start3A_355 : memref<128xi32, #tpu.memory_space<vmem>>) semaphore(%arg17 : memref<!tpu.dma_semaphore, #tpu.memory_space<semaphore_mem>>)
      } else {
      }
      %eq3A_327 = arith.constant 1 : i32
      %eq3A_328 = arith.cmpi eq, %arg0, %eq3A_327 : i32
      %eq3A_329 = arith.constant 0 : i32
      %eq3A_330 = arith.cmpi eq, %rem3A_269, %eq3A_329 : i32
      %and3A_331 = arith.andi %eq3A_328, %eq3A_330 : i1
      %convert_element_type3A_332 = arith.extui %and3A_331 : i1 to i32
      %cond3A_333 = arith.constant 0 : i32
      %cond3A_334 = arith.cmpi ne, %convert_element_type3A_332, %cond3A_333 : i32
      scf.if %cond3A_334 {
        %mul3A_348 = arith.constant 128 : i32
        %mul3A_349 = arith.muli %add3A_298, %mul3A_348 : i32
        %dma_start3A_350 = arith.constant 0 : i32
        %dma_start3A_351 = arith.constant 0 : i32
        %dma_start3A_352 = arith.constant 0 : i32
        %dma_start3A_353 = tpu.memref_slice %arg11[%dma_start3A_350, %dma_start3A_351, %dma_start3A_352] : memref<2x128x128xf32, #tpu.memory_space<vmem>> -> memref<1x128x128xf32, #tpu.memory_space<vmem>>
        %dma_start3A_354 = tpu.memref_squeeze %dma_start3A_353 : memref<1x128x128xf32, #tpu.memory_space<vmem>> -> memref<128x128xf32, #tpu.memory_space<vmem>>
        %dma_start3A_355 = arith.constant 0 : i32
        %dma_start3A_356 = tpu.memref_slice %arg5[%mul3A_349, %dma_start3A_355] : memref<320000x128xf32, #tpu.memory_space<hbm>> -> memref<128x128xf32, #tpu.memory_space<hbm>>
        %dma_start3A_357 = arith.constant 0 : i32
        %dma_start3A_358 = arith.constant 0 : i32
        %dma_start3A_359 = tpu.memref_slice %arg11[%dma_start3A_350, %dma_start3A_357, %dma_start3A_358] : memref<2x128x128xf32, #tpu.memory_space<vmem>> -> memref<1x128x128xf32, #tpu.memory_space<vmem>>
        %dma_start3A_360 = tpu.memref_squeeze %dma_start3A_359 : memref<1x128x128xf32, #tpu.memory_space<vmem>> -> memref<128x128xf32, #tpu.memory_space<vmem>>
        %dma_start3A_361 = arith.constant 0 : i32
        %dma_start3A_362 = tpu.memref_slice %arg5[%mul3A_349, %dma_start3A_361] : memref<320000x128xf32, #tpu.memory_space<hbm>> -> memref<128x128xf32, #tpu.memory_space<hbm>>
        tpu.enqueue_dma source(%dma_start3A_362 : memref<128x128xf32, #tpu.memory_space<hbm>>) target(%dma_start3A_360 : memref<128x128xf32, #tpu.memory_space<vmem>>) target_semaphore(%arg16 : memref<!tpu.dma_semaphore, #tpu.memory_space<semaphore_mem>>)
      } else {
      }
      %eq3A_335 = arith.constant 1 : i32
      %eq3A_336 = arith.cmpi eq, %arg0, %eq3A_335 : i32
      %eq3A_337 = arith.constant 1 : i32
      %eq3A_338 = arith.cmpi eq, %rem3A_269, %eq3A_337 : i32
      %and3A_339 = arith.andi %eq3A_336, %eq3A_338 : i1
      %convert_element_type3A_340 = arith.extui %and3A_339 : i1 to i32
      %cond3A_341 = arith.constant 0 : i32
      %cond3A_342 = arith.cmpi ne, %convert_element_type3A_340, %cond3A_341 : i32
      scf.if %cond3A_342 {
        %mul3A_348 = arith.constant 128 : i32
        %mul3A_349 = arith.muli %add3A_298, %mul3A_348 : i32
        %dma_start3A_350 = arith.constant 1 : i32
        %dma_start3A_351 = arith.constant 0 : i32
        %dma_start3A_352 = arith.constant 0 : i32
        %dma_start3A_353 = tpu.memref_slice %arg11[%dma_start3A_350, %dma_start3A_351, %dma_start3A_352] : memref<2x128x128xf32, #tpu.memory_space<vmem>> -> memref<1x128x128xf32, #tpu.memory_space<vmem>>
        %dma_start3A_354 = tpu.memref_squeeze %dma_start3A_353 : memref<1x128x128xf32, #tpu.memory_space<vmem>> -> memref<128x128xf32, #tpu.memory_space<vmem>>
        %dma_start3A_355 = arith.constant 0 : i32
        %dma_start3A_356 = tpu.memref_slice %arg5[%mul3A_349, %dma_start3A_355] : memref<320000x128xf32, #tpu.memory_space<hbm>> -> memref<128x128xf32, #tpu.memory_space<hbm>>
        %dma_start3A_357 = arith.constant 0 : i32
        %dma_start3A_358 = arith.constant 0 : i32
        %dma_start3A_359 = tpu.memref_slice %arg11[%dma_start3A_350, %dma_start3A_357, %dma_start3A_358] : memref<2x128x128xf32, #tpu.memory_space<vmem>> -> memref<1x128x128xf32, #tpu.memory_space<vmem>>
        %dma_start3A_360 = tpu.memref_squeeze %dma_start3A_359 : memref<1x128x128xf32, #tpu.memory_space<vmem>> -> memref<128x128xf32, #tpu.memory_space<vmem>>
        %dma_start3A_361 = arith.constant 0 : i32
        %dma_start3A_362 = tpu.memref_slice %arg5[%mul3A_349, %dma_start3A_361] : memref<320000x128xf32, #tpu.memory_space<hbm>> -> memref<128x128xf32, #tpu.memory_space<hbm>>
        tpu.enqueue_dma source(%dma_start3A_362 : memref<128x128xf32, #tpu.memory_space<hbm>>) target(%dma_start3A_360 : memref<128x128xf32, #tpu.memory_space<vmem>>) target_semaphore(%arg17 : memref<!tpu.dma_semaphore, #tpu.memory_space<semaphore_mem>>)
      } else {
      }
      %gt3A_343 = arith.constant 0 : i32
      %gt3A_344 = arith.cmpi sgt, %while3A_267, %gt3A_343 : i32
      %convert_element_type3A_345 = arith.extui %gt3A_344 : i1 to i32
      %cond3A_346 = arith.constant 0 : i32
      %cond3A_347 = arith.cmpi ne, %convert_element_type3A_345, %cond3A_346 : i32
      scf.if %cond3A_347 {
        %sub3A_348 = arith.constant 1 : i32
        %sub3A_349 = arith.subi %while3A_267, %sub3A_348 : i32
        %rem3A_350 = arith.constant 2 : i32
        %rem3A_351 = arith.remsi %sub3A_349, %rem3A_350 : i32
        %eq3A_352 = arith.constant 0 : i32
        %eq3A_353 = arith.cmpi eq, %rem3A_351, %eq3A_352 : i32
        %convert_element_type3A_354 = arith.extui %eq3A_353 : i1 to i32
        %cond3A_355 = arith.constant 0 : i32
        %cond3A_356 = arith.cmpi ne, %convert_element_type3A_354, %cond3A_355 : i32
        scf.if %cond3A_356 {
          %dma_wait3A_411 = arith.constant 0 : i32
          %dma_wait3A_412 = arith.constant 0 : i32
          %dma_wait3A_413 = arith.constant 0 : i32
          %dma_wait3A_414 = tpu.memref_slice %arg11[%dma_wait3A_411, %dma_wait3A_412, %dma_wait3A_413] : memref<2x128x128xf32, #tpu.memory_space<vmem>> -> memref<1x128x128xf32, #tpu.memory_space<vmem>>
          %dma_wait3A_415 = tpu.memref_squeeze %dma_wait3A_414 : memref<1x128x128xf32, #tpu.memory_space<vmem>> -> memref<128x128xf32, #tpu.memory_space<vmem>>
          %dma_wait3A_416 = arith.constant 0 : i32
          %dma_wait3A_417 = arith.constant 0 : i32
          %dma_wait3A_418 = tpu.memref_slice %arg14[%dma_wait3A_416, %dma_wait3A_417] : memref<10000x128xf32, #tpu.memory_space<vmem_shared>> -> memref<128x128xf32, #tpu.memory_space<vmem_shared>>
          %dma_wait3A_419 = arith.constant 0 : i32
          %dma_wait3A_420 = arith.constant 0 : i32
          %dma_wait3A_421 = tpu.memref_slice %arg14[%dma_wait3A_419, %dma_wait3A_420] : memref<10000x128xf32, #tpu.memory_space<vmem_shared>> -> memref<128x128xf32, #tpu.memory_space<vmem_shared>>
          %dma_wait3A_422 = arith.constant 0 : i32
          %dma_wait3A_423 = arith.constant 0 : i32
          %dma_wait3A_424 = tpu.memref_slice %arg11[%dma_wait3A_411, %dma_wait3A_422, %dma_wait3A_423] : memref<2x128x128xf32, #tpu.memory_space<vmem>> -> memref<1x128x128xf32, #tpu.memory_space<vmem>>
          %dma_wait3A_425 = tpu.memref_squeeze %dma_wait3A_424 : memref<1x128x128xf32, #tpu.memory_space<vmem>> -> memref<128x128xf32, #tpu.memory_space<vmem>>
          tpu.wait_dma2 semaphore(%arg16 : memref<!tpu.dma_semaphore, #tpu.memory_space<semaphore_mem>>) src(%dma_wait3A_425 : memref<128x128xf32, #tpu.memory_space<vmem>>) dst(%dma_wait3A_421 : memref<128x128xf32, #tpu.memory_space<vmem_shared>>)
        } else {
        }
        %rem3A_357 = arith.constant 2 : i32
        %rem3A_358 = arith.remsi %sub3A_349, %rem3A_357 : i32
        %eq3A_359 = arith.constant 1 : i32
        %eq3A_360 = arith.cmpi eq, %rem3A_358, %eq3A_359 : i32
        %convert_element_type3A_361 = arith.extui %eq3A_360 : i1 to i32
        %cond3A_362 = arith.constant 0 : i32
        %cond3A_363 = arith.cmpi ne, %convert_element_type3A_361, %cond3A_362 : i32
        scf.if %cond3A_363 {
          %dma_wait3A_411 = arith.constant 0 : i32
          %dma_wait3A_412 = arith.constant 0 : i32
          %dma_wait3A_413 = arith.constant 0 : i32
          %dma_wait3A_414 = tpu.memref_slice %arg11[%dma_wait3A_411, %dma_wait3A_412, %dma_wait3A_413] : memref<2x128x128xf32, #tpu.memory_space<vmem>> -> memref<1x128x128xf32, #tpu.memory_space<vmem>>
          %dma_wait3A_415 = tpu.memref_squeeze %dma_wait3A_414 : memref<1x128x128xf32, #tpu.memory_space<vmem>> -> memref<128x128xf32, #tpu.memory_space<vmem>>
          %dma_wait3A_416 = arith.constant 0 : i32
          %dma_wait3A_417 = arith.constant 0 : i32
          %dma_wait3A_418 = tpu.memref_slice %arg14[%dma_wait3A_416, %dma_wait3A_417] : memref<10000x128xf32, #tpu.memory_space<vmem_shared>> -> memref<128x128xf32, #tpu.memory_space<vmem_shared>>
          %dma_wait3A_419 = arith.constant 0 : i32
          %dma_wait3A_420 = arith.constant 0 : i32
          %dma_wait3A_421 = tpu.memref_slice %arg14[%dma_wait3A_419, %dma_wait3A_420] : memref<10000x128xf32, #tpu.memory_space<vmem_shared>> -> memref<128x128xf32, #tpu.memory_space<vmem_shared>>
          %dma_wait3A_422 = arith.constant 0 : i32
          %dma_wait3A_423 = arith.constant 0 : i32
          %dma_wait3A_424 = tpu.memref_slice %arg11[%dma_wait3A_411, %dma_wait3A_422, %dma_wait3A_423] : memref<2x128x128xf32, #tpu.memory_space<vmem>> -> memref<1x128x128xf32, #tpu.memory_space<vmem>>
          %dma_wait3A_425 = tpu.memref_squeeze %dma_wait3A_424 : memref<1x128x128xf32, #tpu.memory_space<vmem>> -> memref<128x128xf32, #tpu.memory_space<vmem>>
          tpu.wait_dma2 semaphore(%arg17 : memref<!tpu.dma_semaphore, #tpu.memory_space<semaphore_mem>>) src(%dma_wait3A_425 : memref<128x128xf32, #tpu.memory_space<vmem>>) dst(%dma_wait3A_421 : memref<128x128xf32, #tpu.memory_space<vmem_shared>>)
        } else {
        }
        %sub3A_364 = arith.constant 1 : i32
        %sub3A_365 = arith.subi %while3A_267, %sub3A_364 : i32
        %rem3A_366 = arith.constant 2 : i32
        %rem3A_367 = arith.remsi %sub3A_365, %rem3A_366 : i32
        %jit3A_368 = arith.constant 16 : i32
        %div3A_369 = arith.divsi %sub3A_365, %jit3A_368 : i32
        %sign3A_370 = arith.constant 0 : i32
        %sign3A_371 = arith.cmpi sgt, %sub3A_365, %sign3A_370 : i32
        %sign3A_372 = arith.extui %sign3A_371 : i1 to i32
        %sign3A_373 = arith.constant 0 : i32
        %sign3A_374 = arith.cmpi slt, %sub3A_365, %sign3A_373 : i32
        %sign3A_375 = arith.extui %sign3A_374 : i1 to i32
        %sign3A_376 = arith.subi %sign3A_372, %sign3A_375 : i32
        %sign3A_377 = arith.constant 0 : i32
        %sign3A_378 = arith.cmpi sgt, %jit3A_368, %sign3A_377 : i32
        %sign3A_379 = arith.extui %sign3A_378 : i1 to i32
        %sign3A_380 = arith.constant 0 : i32
        %sign3A_381 = arith.cmpi slt, %jit3A_368, %sign3A_380 : i32
        %sign3A_382 = arith.extui %sign3A_381 : i1 to i32
        %sign3A_383 = arith.subi %sign3A_379, %sign3A_382 : i32
        %ne3A_384 = arith.cmpi ne, %sign3A_376, %sign3A_383 : i32
        %rem3A_385 = arith.remsi %sub3A_365, %jit3A_368 : i32
        %ne3A_386 = arith.constant 0 : i32
        %ne3A_387 = arith.cmpi ne, %rem3A_385, %ne3A_386 : i32
        %and3A_388 = arith.andi %ne3A_384, %ne3A_387 : i1
        %sub3A_389 = arith.constant 1 : i32
        %sub3A_390 = arith.subi %div3A_369, %sub3A_389 : i32
        %select_n3A_391 = arith.select %and3A_388, %sub3A_390, %div3A_369 : i32
        %rem3A_392 = arith.constant 3 : i32
        %rem3A_393 = arith.remsi %select_n3A_391, %rem3A_392 : i32
        %rem3A_394 = arith.constant 16 : i32
        %rem3A_395 = arith.remsi %sub3A_365, %rem3A_394 : i32
        %dma_start3A_396 = arith.constant 0 : i32
        %dma_start3A_397 = arith.constant 0 : i32
        %dma_start3A_398 = tpu.memref_slice %arg11[%rem3A_367, %dma_start3A_396, %dma_start3A_397] : memref<2x128x128xf32, #tpu.memory_space<vmem>> -> memref<1x128x128xf32, #tpu.memory_space<vmem>>
        %dma_start3A_399 = tpu.memref_squeeze %dma_start3A_398 : memref<1x128x128xf32, #tpu.memory_space<vmem>> -> memref<128x128xf32, #tpu.memory_space<vmem>>
        %dma_start3A_400 = arith.constant 0 : i32
        %dma_start3A_401 = tpu.memref_slice %arg10[%rem3A_393, %rem3A_395, %dma_start3A_400] : memref<3x16x128xi32, #tpu.memory_space<vmem>> -> memref<1x1x128xi32, #tpu.memory_space<vmem>>
        %dma_start3A_402 = tpu.memref_squeeze %dma_start3A_401 : memref<1x1x128xi32, #tpu.memory_space<vmem>> -> memref<128xi32, #tpu.memory_space<vmem>>
        %dma_start3A_403 = arith.constant 0 : i32
        %dma_start3A_404 = arith.constant 0 : i32
        %dma_start3A_405 = tpu.memref_slice %arg14[%dma_start3A_403, %dma_start3A_404] : memref<10000x128xf32, #tpu.memory_space<vmem_shared>> -> memref<10000x128xf32, #tpu.memory_space<vmem_shared>>
        tpu.enqueue_indirect_dma source(%dma_start3A_399 : memref<128x128xf32, #tpu.memory_space<vmem>>) target(%dma_start3A_405 : memref<10000x128xf32, #tpu.memory_space<vmem_shared>>) offsets(%dma_start3A_402 : memref<128xi32, #tpu.memory_space<vmem>>) semaphore(%arg18 : memref<!tpu.dma_semaphore, #tpu.memory_space<semaphore_mem>>) {add = true}
        %eq3A_406 = arith.constant 1 : i32
        %eq3A_407 = arith.cmpi eq, %arg0, %eq3A_406 : i32
        %convert_element_type3A_408 = arith.extui %eq3A_407 : i1 to i32
        %cond3A_409 = arith.constant 0 : i32
        %cond3A_410 = arith.cmpi ne, %convert_element_type3A_408, %cond3A_409 : i32
        scf.if %cond3A_410 {
          %dma_start3A_411 = arith.constant 0 : i32
          %dma_start3A_412 = tpu.memref_slice %arg10[%rem3A_393, %rem3A_395, %dma_start3A_411] : memref<3x16x128xi32, #tpu.memory_space<vmem>> -> memref<1x1x128xi32, #tpu.memory_space<vmem>>
          %dma_start3A_413 = tpu.memref_squeeze %dma_start3A_412 : memref<1x1x128xi32, #tpu.memory_space<vmem>> -> memref<128xi32, #tpu.memory_space<vmem>>
          %dma_start3A_414 = arith.constant 0 : i32
          %dma_start3A_415 = tpu.memref_slice %arg15[%dma_start3A_414] : memref<10000xf32, #tpu.memory_space<vmem_shared>> -> memref<10000xf32, #tpu.memory_space<vmem_shared>>
          tpu.enqueue_indirect_dma source(%arg12 : memref<128xf32, #tpu.memory_space<vmem>>) target(%dma_start3A_415 : memref<10000xf32, #tpu.memory_space<vmem_shared>>) offsets(%dma_start3A_413 : memref<128xi32, #tpu.memory_space<vmem>>) semaphore(%arg19 : memref<!tpu.dma_semaphore, #tpu.memory_space<semaphore_mem>>) {add = true}
        } else {
        }
      } else {
      }
    }
    %sub3A_139 = arith.constant 1 : i32
    %sub3A_140 = arith.subi %sub3A_105, %sub3A_139 : i32
    %rem3A_141 = arith.constant 2 : i32
    %rem3A_142 = arith.remsi %sub3A_140, %rem3A_141 : i32
    %eq3A_143 = arith.constant 0 : i32
    %eq3A_144 = arith.cmpi eq, %rem3A_142, %eq3A_143 : i32
    %convert_element_type3A_145 = arith.extui %eq3A_144 : i1 to i32
    %cond3A_146 = arith.constant 0 : i32
    %cond3A_147 = arith.cmpi ne, %convert_element_type3A_145, %cond3A_146 : i32
    scf.if %cond3A_147 {
      %dma_wait3A_267 = arith.constant 0 : i32
      %dma_wait3A_268 = arith.constant 0 : i32
      %dma_wait3A_269 = arith.constant 0 : i32
      %dma_wait3A_270 = tpu.memref_slice %arg11[%dma_wait3A_267, %dma_wait3A_268, %dma_wait3A_269] : memref<2x128x128xf32, #tpu.memory_space<vmem>> -> memref<1x128x128xf32, #tpu.memory_space<vmem>>
      %dma_wait3A_271 = tpu.memref_squeeze %dma_wait3A_270 : memref<1x128x128xf32, #tpu.memory_space<vmem>> -> memref<128x128xf32, #tpu.memory_space<vmem>>
      %dma_wait3A_272 = arith.constant 0 : i32
      %dma_wait3A_273 = arith.constant 0 : i32
      %dma_wait3A_274 = tpu.memref_slice %arg14[%dma_wait3A_272, %dma_wait3A_273] : memref<10000x128xf32, #tpu.memory_space<vmem_shared>> -> memref<128x128xf32, #tpu.memory_space<vmem_shared>>
      %dma_wait3A_275 = arith.constant 0 : i32
      %dma_wait3A_276 = arith.constant 0 : i32
      %dma_wait3A_277 = tpu.memref_slice %arg14[%dma_wait3A_275, %dma_wait3A_276] : memref<10000x128xf32, #tpu.memory_space<vmem_shared>> -> memref<128x128xf32, #tpu.memory_space<vmem_shared>>
      %dma_wait3A_278 = arith.constant 0 : i32
      %dma_wait3A_279 = arith.constant 0 : i32
      %dma_wait3A_280 = tpu.memref_slice %arg11[%dma_wait3A_267, %dma_wait3A_278, %dma_wait3A_279] : memref<2x128x128xf32, #tpu.memory_space<vmem>> -> memref<1x128x128xf32, #tpu.memory_space<vmem>>
      %dma_wait3A_281 = tpu.memref_squeeze %dma_wait3A_280 : memref<1x128x128xf32, #tpu.memory_space<vmem>> -> memref<128x128xf32, #tpu.memory_space<vmem>>
      tpu.wait_dma2 semaphore(%arg16 : memref<!tpu.dma_semaphore, #tpu.memory_space<semaphore_mem>>) src(%dma_wait3A_281 : memref<128x128xf32, #tpu.memory_space<vmem>>) dst(%dma_wait3A_277 : memref<128x128xf32, #tpu.memory_space<vmem_shared>>)
    } else {
    }
    %rem3A_148 = arith.constant 2 : i32
    %rem3A_149 = arith.remsi %sub3A_140, %rem3A_148 : i32
    %eq3A_150 = arith.constant 1 : i32
    %eq3A_151 = arith.cmpi eq, %rem3A_149, %eq3A_150 : i32
    %convert_element_type3A_152 = arith.extui %eq3A_151 : i1 to i32
    %cond3A_153 = arith.constant 0 : i32
    %cond3A_154 = arith.cmpi ne, %convert_element_type3A_152, %cond3A_153 : i32
    scf.if %cond3A_154 {
      %dma_wait3A_267 = arith.constant 0 : i32
      %dma_wait3A_268 = arith.constant 0 : i32
      %dma_wait3A_269 = arith.constant 0 : i32
      %dma_wait3A_270 = tpu.memref_slice %arg11[%dma_wait3A_267, %dma_wait3A_268, %dma_wait3A_269] : memref<2x128x128xf32, #tpu.memory_space<vmem>> -> memref<1x128x128xf32, #tpu.memory_space<vmem>>
      %dma_wait3A_271 = tpu.memref_squeeze %dma_wait3A_270 : memref<1x128x128xf32, #tpu.memory_space<vmem>> -> memref<128x128xf32, #tpu.memory_space<vmem>>
      %dma_wait3A_272 = arith.constant 0 : i32
      %dma_wait3A_273 = arith.constant 0 : i32
      %dma_wait3A_274 = tpu.memref_slice %arg14[%dma_wait3A_272, %dma_wait3A_273] : memref<10000x128xf32, #tpu.memory_space<vmem_shared>> -> memref<128x128xf32, #tpu.memory_space<vmem_shared>>
      %dma_wait3A_275 = arith.constant 0 : i32
      %dma_wait3A_276 = arith.constant 0 : i32
      %dma_wait3A_277 = tpu.memref_slice %arg14[%dma_wait3A_275, %dma_wait3A_276] : memref<10000x128xf32, #tpu.memory_space<vmem_shared>> -> memref<128x128xf32, #tpu.memory_space<vmem_shared>>
      %dma_wait3A_278 = arith.constant 0 : i32
      %dma_wait3A_279 = arith.constant 0 : i32
      %dma_wait3A_280 = tpu.memref_slice %arg11[%dma_wait3A_267, %dma_wait3A_278, %dma_wait3A_279] : memref<2x128x128xf32, #tpu.memory_space<vmem>> -> memref<1x128x128xf32, #tpu.memory_space<vmem>>
      %dma_wait3A_281 = tpu.memref_squeeze %dma_wait3A_280 : memref<1x128x128xf32, #tpu.memory_space<vmem>> -> memref<128x128xf32, #tpu.memory_space<vmem>>
      tpu.wait_dma2 semaphore(%arg17 : memref<!tpu.dma_semaphore, #tpu.memory_space<semaphore_mem>>) src(%dma_wait3A_281 : memref<128x128xf32, #tpu.memory_space<vmem>>) dst(%dma_wait3A_277 : memref<128x128xf32, #tpu.memory_space<vmem_shared>>)
    } else {
    }
    %sub3A_155 = arith.constant 1 : i32
    %sub3A_156 = arith.subi %sub3A_105, %sub3A_155 : i32
    %rem3A_157 = arith.constant 2 : i32
    %rem3A_158 = arith.remsi %sub3A_156, %rem3A_157 : i32
    %jit3A_159 = arith.constant 16 : i32
    %div3A_160 = arith.divsi %sub3A_156, %jit3A_159 : i32
    %sign3A_161 = arith.constant 0 : i32
    %sign3A_162 = arith.cmpi sgt, %sub3A_156, %sign3A_161 : i32
    %sign3A_163 = arith.extui %sign3A_162 : i1 to i32
    %sign3A_164 = arith.constant 0 : i32
    %sign3A_165 = arith.cmpi slt, %sub3A_156, %sign3A_164 : i32
    %sign3A_166 = arith.extui %sign3A_165 : i1 to i32
    %sign3A_167 = arith.subi %sign3A_163, %sign3A_166 : i32
    %sign3A_168 = arith.constant 0 : i32
    %sign3A_169 = arith.cmpi sgt, %jit3A_159, %sign3A_168 : i32
    %sign3A_170 = arith.extui %sign3A_169 : i1 to i32
    %sign3A_171 = arith.constant 0 : i32
    %sign3A_172 = arith.cmpi slt, %jit3A_159, %sign3A_171 : i32
    %sign3A_173 = arith.extui %sign3A_172 : i1 to i32
    %sign3A_174 = arith.subi %sign3A_170, %sign3A_173 : i32
    %ne3A_175 = arith.cmpi ne, %sign3A_167, %sign3A_174 : i32
    %rem3A_176 = arith.remsi %sub3A_156, %jit3A_159 : i32
    %ne3A_177 = arith.constant 0 : i32
    %ne3A_178 = arith.cmpi ne, %rem3A_176, %ne3A_177 : i32
    %and3A_179 = arith.andi %ne3A_175, %ne3A_178 : i1
    %sub3A_180 = arith.constant 1 : i32
    %sub3A_181 = arith.subi %div3A_160, %sub3A_180 : i32
    %select_n3A_182 = arith.select %and3A_179, %sub3A_181, %div3A_160 : i32
    %rem3A_183 = arith.constant 3 : i32
    %rem3A_184 = arith.remsi %select_n3A_182, %rem3A_183 : i32
    %rem3A_185 = arith.constant 16 : i32
    %rem3A_186 = arith.remsi %sub3A_156, %rem3A_185 : i32
    %dma_start3A_187 = arith.constant 0 : i32
    %dma_start3A_188 = arith.constant 0 : i32
    %dma_start3A_189 = tpu.memref_slice %arg11[%rem3A_158, %dma_start3A_187, %dma_start3A_188] : memref<2x128x128xf32, #tpu.memory_space<vmem>> -> memref<1x128x128xf32, #tpu.memory_space<vmem>>
    %dma_start3A_190 = tpu.memref_squeeze %dma_start3A_189 : memref<1x128x128xf32, #tpu.memory_space<vmem>> -> memref<128x128xf32, #tpu.memory_space<vmem>>
    %dma_start3A_191 = arith.constant 0 : i32
    %dma_start3A_192 = tpu.memref_slice %arg10[%rem3A_184, %rem3A_186, %dma_start3A_191] : memref<3x16x128xi32, #tpu.memory_space<vmem>> -> memref<1x1x128xi32, #tpu.memory_space<vmem>>
    %dma_start3A_193 = tpu.memref_squeeze %dma_start3A_192 : memref<1x1x128xi32, #tpu.memory_space<vmem>> -> memref<128xi32, #tpu.memory_space<vmem>>
    %dma_start3A_194 = arith.constant 0 : i32
    %dma_start3A_195 = arith.constant 0 : i32
    %dma_start3A_196 = tpu.memref_slice %arg14[%dma_start3A_194, %dma_start3A_195] : memref<10000x128xf32, #tpu.memory_space<vmem_shared>> -> memref<10000x128xf32, #tpu.memory_space<vmem_shared>>
    tpu.enqueue_indirect_dma source(%dma_start3A_190 : memref<128x128xf32, #tpu.memory_space<vmem>>) target(%dma_start3A_196 : memref<10000x128xf32, #tpu.memory_space<vmem_shared>>) offsets(%dma_start3A_193 : memref<128xi32, #tpu.memory_space<vmem>>) semaphore(%arg18 : memref<!tpu.dma_semaphore, #tpu.memory_space<semaphore_mem>>) {add = true}
    %eq3A_197 = arith.constant 1 : i32
    %eq3A_198 = arith.cmpi eq, %arg0, %eq3A_197 : i32
    %convert_element_type3A_199 = arith.extui %eq3A_198 : i1 to i32
    %cond3A_200 = arith.constant 0 : i32
    %cond3A_201 = arith.cmpi ne, %convert_element_type3A_199, %cond3A_200 : i32
    scf.if %cond3A_201 {
      %dma_start3A_267 = arith.constant 0 : i32
      %dma_start3A_268 = tpu.memref_slice %arg10[%rem3A_184, %rem3A_186, %dma_start3A_267] : memref<3x16x128xi32, #tpu.memory_space<vmem>> -> memref<1x1x128xi32, #tpu.memory_space<vmem>>
      %dma_start3A_269 = tpu.memref_squeeze %dma_start3A_268 : memref<1x1x128xi32, #tpu.memory_space<vmem>> -> memref<128xi32, #tpu.memory_space<vmem>>
      %dma_start3A_270 = arith.constant 0 : i32
      %dma_start3A_271 = tpu.memref_slice %arg15[%dma_start3A_270] : memref<10000xf32, #tpu.memory_space<vmem_shared>> -> memref<10000xf32, #tpu.memory_space<vmem_shared>>
      tpu.enqueue_indirect_dma source(%arg12 : memref<128xf32, #tpu.memory_space<vmem>>) target(%dma_start3A_271 : memref<10000xf32, #tpu.memory_space<vmem_shared>>) offsets(%dma_start3A_269 : memref<128xi32, #tpu.memory_space<vmem>>) semaphore(%arg19 : memref<!tpu.dma_semaphore, #tpu.memory_space<semaphore_mem>>) {add = true}
    } else {
    }
    %dma_wait3A = arith.constant 0 : i32
    %dma_wait3A_202 = arith.constant 0 : i32
    %dma_wait3A_203 = arith.constant 0 : i32
    %dma_wait3A_204 = tpu.memref_slice %arg11[%dma_wait3A, %dma_wait3A_202, %dma_wait3A_203] : memref<2x128x128xf32, #tpu.memory_space<vmem>> -> memref<1x128x128xf32, #tpu.memory_space<vmem>>
    %dma_wait3A_205 = tpu.memref_squeeze %dma_wait3A_204 : memref<1x128x128xf32, #tpu.memory_space<vmem>> -> memref<128x128xf32, #tpu.memory_space<vmem>>
    %dma_wait3A_206 = arith.constant 0 : i32
    %dma_wait3A_207 = arith.constant 0 : i32
    %dma_wait3A_208 = tpu.memref_slice %arg14[%dma_wait3A_206, %dma_wait3A_207] : memref<10000x128xf32, #tpu.memory_space<vmem_shared>> -> memref<128x128xf32, #tpu.memory_space<vmem_shared>>
    %dma_wait3A_209 = arith.constant 0 : i32
    %dma_wait3A_210 = arith.constant 0 : i32
    %dma_wait3A_211 = tpu.memref_slice %arg14[%dma_wait3A_209, %dma_wait3A_210] : memref<10000x128xf32, #tpu.memory_space<vmem_shared>> -> memref<128x128xf32, #tpu.memory_space<vmem_shared>>
    %dma_wait3A_212 = arith.constant 0 : i32
    %dma_wait3A_213 = arith.constant 0 : i32
    %dma_wait3A_214 = tpu.memref_slice %arg11[%dma_wait3A, %dma_wait3A_212, %dma_wait3A_213] : memref<2x128x128xf32, #tpu.memory_space<vmem>> -> memref<1x128x128xf32, #tpu.memory_space<vmem>>
    %dma_wait3A_215 = tpu.memref_squeeze %dma_wait3A_214 : memref<1x128x128xf32, #tpu.memory_space<vmem>> -> memref<128x128xf32, #tpu.memory_space<vmem>>
    tpu.wait_dma2 semaphore(%arg18 : memref<!tpu.dma_semaphore, #tpu.memory_space<semaphore_mem>>) src(%dma_wait3A_215 : memref<128x128xf32, #tpu.memory_space<vmem>>) dst(%dma_wait3A_211 : memref<128x128xf32, #tpu.memory_space<vmem_shared>>)
    %dma_wait3A_216 = arith.constant 0 : i32
    %dma_wait3A_217 = arith.constant 0 : i32
    %dma_wait3A_218 = arith.constant 0 : i32
    %dma_wait3A_219 = tpu.memref_slice %arg11[%dma_wait3A_216, %dma_wait3A_217, %dma_wait3A_218] : memref<2x128x128xf32, #tpu.memory_space<vmem>> -> memref<1x128x128xf32, #tpu.memory_space<vmem>>
    %dma_wait3A_220 = tpu.memref_squeeze %dma_wait3A_219 : memref<1x128x128xf32, #tpu.memory_space<vmem>> -> memref<128x128xf32, #tpu.memory_space<vmem>>
    %dma_wait3A_221 = arith.constant 0 : i32
    %dma_wait3A_222 = arith.constant 0 : i32
    %dma_wait3A_223 = tpu.memref_slice %arg14[%dma_wait3A_221, %dma_wait3A_222] : memref<10000x128xf32, #tpu.memory_space<vmem_shared>> -> memref<128x128xf32, #tpu.memory_space<vmem_shared>>
    %dma_wait3A_224 = arith.constant 0 : i32
    %dma_wait3A_225 = arith.constant 0 : i32
    %dma_wait3A_226 = tpu.memref_slice %arg14[%dma_wait3A_224, %dma_wait3A_225] : memref<10000x128xf32, #tpu.memory_space<vmem_shared>> -> memref<128x128xf32, #tpu.memory_space<vmem_shared>>
    %dma_wait3A_227 = arith.constant 0 : i32
    %dma_wait3A_228 = arith.constant 0 : i32
    %dma_wait3A_229 = tpu.memref_slice %arg11[%dma_wait3A_216, %dma_wait3A_227, %dma_wait3A_228] : memref<2x128x128xf32, #tpu.memory_space<vmem>> -> memref<1x128x128xf32, #tpu.memory_space<vmem>>
    %dma_wait3A_230 = tpu.memref_squeeze %dma_wait3A_229 : memref<1x128x128xf32, #tpu.memory_space<vmem>> -> memref<128x128xf32, #tpu.memory_space<vmem>>
    tpu.wait_dma2 semaphore(%arg18 : memref<!tpu.dma_semaphore, #tpu.memory_space<semaphore_mem>>) src(%dma_wait3A_230 : memref<128x128xf32, #tpu.memory_space<vmem>>) dst(%dma_wait3A_226 : memref<128x128xf32, #tpu.memory_space<vmem_shared>>)
    %dma_wait3A_231 = arith.constant 0 : i32
    %dma_wait3A_232 = arith.constant 0 : i32
    %dma_wait3A_233 = arith.constant 0 : i32
    %dma_wait3A_234 = tpu.memref_slice %arg10[%dma_wait3A_231, %dma_wait3A_232, %dma_wait3A_233] : memref<3x16x128xi32, #tpu.memory_space<vmem>> -> memref<1x16x128xi32, #tpu.memory_space<vmem>>
    %dma_wait3A_235 = tpu.memref_squeeze %dma_wait3A_234 : memref<1x16x128xi32, #tpu.memory_space<vmem>> -> memref<16x128xi32, #tpu.memory_space<vmem>>
    %dma_wait3A_236 = arith.constant 0 : i32
    %dma_wait3A_237 = arith.constant 0 : i32
    %dma_wait3A_238 = tpu.memref_slice %arg3[%dma_wait3A_236, %dma_wait3A_237] : memref<2528x128xi32, #tpu.memory_space<hbm>> -> memref<16x128xi32, #tpu.memory_space<hbm>>
    %dma_wait3A_239 = arith.constant 0 : i32
    %dma_wait3A_240 = arith.constant 0 : i32
    %dma_wait3A_241 = tpu.memref_slice %arg10[%dma_wait3A_231, %dma_wait3A_239, %dma_wait3A_240] : memref<3x16x128xi32, #tpu.memory_space<vmem>> -> memref<1x16x128xi32, #tpu.memory_space<vmem>>
    %dma_wait3A_242 = tpu.memref_squeeze %dma_wait3A_241 : memref<1x16x128xi32, #tpu.memory_space<vmem>> -> memref<16x128xi32, #tpu.memory_space<vmem>>
    %dma_wait3A_243 = arith.constant 0 : i32
    %dma_wait3A_244 = arith.constant 0 : i32
    %dma_wait3A_245 = tpu.memref_slice %arg3[%dma_wait3A_243, %dma_wait3A_244] : memref<2528x128xi32, #tpu.memory_space<hbm>> -> memref<16x128xi32, #tpu.memory_space<hbm>>
    tpu.wait_dma2 semaphore(%arg20 : memref<!tpu.dma_semaphore, #tpu.memory_space<semaphore_mem>>) src(%dma_wait3A_245 : memref<16x128xi32, #tpu.memory_space<hbm>>) dst(%dma_wait3A_242 : memref<16x128xi32, #tpu.memory_space<vmem>>)
    %eq3A_246 = arith.constant 0 : i32
    %eq3A_247 = arith.cmpi eq, %arg0, %eq3A_246 : i32
    %convert_element_type3A_248 = arith.extui %eq3A_247 : i1 to i32
    %cond3A_249 = arith.constant 0 : i32
    %cond3A_250 = arith.cmpi ne, %convert_element_type3A_248, %cond3A_249 : i32
    scf.if %cond3A_250 {
      %dma_wait3A_267 = arith.constant 0 : i32
      %dma_wait3A_268 = arith.constant 0 : i32
      %dma_wait3A_269 = arith.constant 0 : i32
      %dma_wait3A_270 = tpu.memref_slice %arg9[%dma_wait3A_267, %dma_wait3A_268, %dma_wait3A_269] : memref<3x16x128xi32, #tpu.memory_space<vmem>> -> memref<1x16x128xi32, #tpu.memory_space<vmem>>
      %dma_wait3A_271 = tpu.memref_squeeze %dma_wait3A_270 : memref<1x16x128xi32, #tpu.memory_space<vmem>> -> memref<16x128xi32, #tpu.memory_space<vmem>>
      %dma_wait3A_272 = arith.constant 0 : i32
      %dma_wait3A_273 = arith.constant 0 : i32
      %dma_wait3A_274 = tpu.memref_slice %arg2[%dma_wait3A_272, %dma_wait3A_273] : memref<2528x128xi32, #tpu.memory_space<hbm>> -> memref<16x128xi32, #tpu.memory_space<hbm>>
      %dma_wait3A_275 = arith.constant 0 : i32
      %dma_wait3A_276 = arith.constant 0 : i32
      %dma_wait3A_277 = tpu.memref_slice %arg9[%dma_wait3A_267, %dma_wait3A_275, %dma_wait3A_276] : memref<3x16x128xi32, #tpu.memory_space<vmem>> -> memref<1x16x128xi32, #tpu.memory_space<vmem>>
      %dma_wait3A_278 = tpu.memref_squeeze %dma_wait3A_277 : memref<1x16x128xi32, #tpu.memory_space<vmem>> -> memref<16x128xi32, #tpu.memory_space<vmem>>
      %dma_wait3A_279 = arith.constant 0 : i32
      %dma_wait3A_280 = arith.constant 0 : i32
      %dma_wait3A_281 = tpu.memref_slice %arg2[%dma_wait3A_279, %dma_wait3A_280] : memref<2528x128xi32, #tpu.memory_space<hbm>> -> memref<16x128xi32, #tpu.memory_space<hbm>>
      tpu.wait_dma2 semaphore(%arg20 : memref<!tpu.dma_semaphore, #tpu.memory_space<semaphore_mem>>) src(%dma_wait3A_281 : memref<16x128xi32, #tpu.memory_space<hbm>>) dst(%dma_wait3A_278 : memref<16x128xi32, #tpu.memory_space<vmem>>)
    } else {
    }
    %eq3A_251 = arith.constant 1 : i32
    %eq3A_252 = arith.cmpi eq, %arg0, %eq3A_251 : i32
    %convert_element_type3A_253 = arith.extui %eq3A_252 : i1 to i32
    %cond3A_254 = arith.constant 0 : i32
    %cond3A_255 = arith.cmpi ne, %convert_element_type3A_253, %cond3A_254 : i32
    scf.if %cond3A_255 {
      %dma_wait3A_267 = arith.constant 0 : i32
      %dma_wait3A_268 = tpu.memref_slice %arg13[%dma_wait3A_267] : memref<640xf32, #tpu.memory_space<vmem>> -> memref<128xf32, #tpu.memory_space<vmem>>
      %dma_wait3A_269 = arith.constant 0 : i32
      %dma_wait3A_270 = tpu.memref_slice %arg15[%dma_wait3A_269] : memref<10000xf32, #tpu.memory_space<vmem_shared>> -> memref<128xf32, #tpu.memory_space<vmem_shared>>
      %dma_wait3A_271 = arith.constant 0 : i32
      %dma_wait3A_272 = tpu.memref_slice %arg15[%dma_wait3A_271] : memref<10000xf32, #tpu.memory_space<vmem_shared>> -> memref<128xf32, #tpu.memory_space<vmem_shared>>
      %dma_wait3A_273 = arith.constant 0 : i32
      %dma_wait3A_274 = tpu.memref_slice %arg13[%dma_wait3A_273] : memref<640xf32, #tpu.memory_space<vmem>> -> memref<128xf32, #tpu.memory_space<vmem>>
      tpu.wait_dma2 semaphore(%arg19 : memref<!tpu.dma_semaphore, #tpu.memory_space<semaphore_mem>>) src(%dma_wait3A_274 : memref<128xf32, #tpu.memory_space<vmem>>) dst(%dma_wait3A_272 : memref<128xf32, #tpu.memory_space<vmem_shared>>)
      %dma_wait3A_275 = arith.constant 0 : i32
      %dma_wait3A_276 = tpu.memref_slice %arg13[%dma_wait3A_275] : memref<640xf32, #tpu.memory_space<vmem>> -> memref<128xf32, #tpu.memory_space<vmem>>
      %dma_wait3A_277 = arith.constant 0 : i32
      %dma_wait3A_278 = tpu.memref_slice %arg15[%dma_wait3A_277] : memref<10000xf32, #tpu.memory_space<vmem_shared>> -> memref<128xf32, #tpu.memory_space<vmem_shared>>
      %dma_wait3A_279 = arith.constant 0 : i32
      %dma_wait3A_280 = tpu.memref_slice %arg15[%dma_wait3A_279] : memref<10000xf32, #tpu.memory_space<vmem_shared>> -> memref<128xf32, #tpu.memory_space<vmem_shared>>
      %dma_wait3A_281 = arith.constant 0 : i32
      %dma_wait3A_282 = tpu.memref_slice %arg13[%dma_wait3A_281] : memref<640xf32, #tpu.memory_space<vmem>> -> memref<128xf32, #tpu.memory_space<vmem>>
      tpu.wait_dma2 semaphore(%arg19 : memref<!tpu.dma_semaphore, #tpu.memory_space<semaphore_mem>>) src(%dma_wait3A_282 : memref<128xf32, #tpu.memory_space<vmem>>) dst(%dma_wait3A_280 : memref<128xf32, #tpu.memory_space<vmem_shared>>)
    } else {
    }
    %barrier3A_256 = arith.constant 0 : index
    tpu.barrier barrier_id(%barrier3A_256)
    %eq3A_257 = arith.constant 0 : i32
    %eq3A_258 = arith.cmpi eq, %arg0, %eq3A_257 : i32
    %convert_element_type3A_259 = arith.extui %eq3A_258 : i1 to i32
    %cond3A_260 = arith.constant 0 : i32
    %cond3A_261 = arith.cmpi ne, %convert_element_type3A_259, %cond3A_260 : i32
    scf.if %cond3A_261 {
      "tpu.region"() ({
        %run_scoped3A_267 = tpu.sem_alloc : memref<!tpu.dma_semaphore, #tpu.memory_space<semaphore_mem>>
        %dma_start3A_268 = arith.constant 0 : i32
        %dma_start3A_269 = tpu.memref_slice %arg6[%mul3A_45, %dma_start3A_268] : memref<10000x128xf32, #tpu.memory_space<hbm>> -> memref<640x128xf32, #tpu.memory_space<hbm>>
        %dma_start3A_270 = arith.constant 0 : i32
        %dma_start3A_271 = tpu.memref_slice %arg14[%mul3A_45, %dma_start3A_270] : memref<10000x128xf32, #tpu.memory_space<vmem_shared>> -> memref<640x128xf32, #tpu.memory_space<vmem_shared>>
        tpu.enqueue_dma source(%dma_start3A_271 : memref<640x128xf32, #tpu.memory_space<vmem_shared>>) target(%dma_start3A_269 : memref<640x128xf32, #tpu.memory_space<hbm>>) target_semaphore(%run_scoped3A_267 : memref<!tpu.dma_semaphore, #tpu.memory_space<semaphore_mem>>)
        %dma_wait3A_272 = arith.constant 0 : i32
        %dma_wait3A_273 = tpu.memref_slice %arg6[%mul3A_45, %dma_wait3A_272] : memref<10000x128xf32, #tpu.memory_space<hbm>> -> memref<640x128xf32, #tpu.memory_space<hbm>>
        %dma_wait3A_274 = arith.constant 0 : i32
        %dma_wait3A_275 = tpu.memref_slice %arg14[%mul3A_45, %dma_wait3A_274] : memref<10000x128xf32, #tpu.memory_space<vmem_shared>> -> memref<640x128xf32, #tpu.memory_space<vmem_shared>>
        tpu.wait_dma2 semaphore(%run_scoped3A_267 : memref<!tpu.dma_semaphore, #tpu.memory_space<semaphore_mem>>) src(%dma_wait3A_275 : memref<640x128xf32, #tpu.memory_space<vmem_shared>>) dst(%dma_wait3A_273 : memref<640x128xf32, #tpu.memory_space<hbm>>)
        tpu.yield
      }) : () -> ()
    } else {
    }
    %eq3A_262 = arith.constant 1 : i32
    %eq3A_263 = arith.cmpi eq, %arg0, %eq3A_262 : i32
    %convert_element_type3A_264 = arith.extui %eq3A_263 : i1 to i32
    %cond3A_265 = arith.constant 0 : i32
    %cond3A_266 = arith.cmpi ne, %convert_element_type3A_264, %cond3A_265 : i32
    scf.if %cond3A_266 {
      "tpu.region"() ({
        %run_scoped3A_267 = tpu.sem_alloc : memref<!tpu.dma_semaphore, #tpu.memory_space<semaphore_mem>>
        %dma_start3A_268 = arith.constant 0 : i32
        %dma_start3A_269 = tpu.memref_slice %arg7[%mul3A_45, %dma_start3A_268] : memref<10000x128xf32, #tpu.memory_space<hbm>> -> memref<640x128xf32, #tpu.memory_space<hbm>>
        %dma_start3A_270 = arith.constant 0 : i32
        %dma_start3A_271 = tpu.memref_slice %arg14[%mul3A_45, %dma_start3A_270] : memref<10000x128xf32, #tpu.memory_space<vmem_shared>> -> memref<640x128xf32, #tpu.memory_space<vmem_shared>>
        tpu.enqueue_dma source(%dma_start3A_271 : memref<640x128xf32, #tpu.memory_space<vmem_shared>>) target(%dma_start3A_269 : memref<640x128xf32, #tpu.memory_space<hbm>>) target_semaphore(%run_scoped3A_267 : memref<!tpu.dma_semaphore, #tpu.memory_space<semaphore_mem>>)
        %dma_wait3A_272 = arith.constant 0 : i32
        %dma_wait3A_273 = tpu.memref_slice %arg7[%mul3A_45, %dma_wait3A_272] : memref<10000x128xf32, #tpu.memory_space<hbm>> -> memref<640x128xf32, #tpu.memory_space<hbm>>
        %dma_wait3A_274 = arith.constant 0 : i32
        %dma_wait3A_275 = tpu.memref_slice %arg14[%mul3A_45, %dma_wait3A_274] : memref<10000x128xf32, #tpu.memory_space<vmem_shared>> -> memref<640x128xf32, #tpu.memory_space<vmem_shared>>
        tpu.wait_dma2 semaphore(%run_scoped3A_267 : memref<!tpu.dma_semaphore, #tpu.memory_space<semaphore_mem>>) src(%dma_wait3A_275 : memref<640x128xf32, #tpu.memory_space<vmem_shared>>) dst(%dma_wait3A_273 : memref<640x128xf32, #tpu.memory_space<hbm>>)
        tpu.yield
      }) : () -> ()
      "tpu.region"() ({
        %run_scoped3A_267 = tpu.sem_alloc : memref<!tpu.dma_semaphore, #tpu.memory_space<semaphore_mem>>
        %dma_start3A_268 = tpu.memref_slice %arg15[%mul3A_45] : memref<10000xf32, #tpu.memory_space<vmem_shared>> -> memref<640xf32, #tpu.memory_space<vmem_shared>>
        %dma_start3A_269 = tpu.memref_slice %arg15[%mul3A_45] : memref<10000xf32, #tpu.memory_space<vmem_shared>> -> memref<640xf32, #tpu.memory_space<vmem_shared>>
        tpu.enqueue_dma source(%dma_start3A_269 : memref<640xf32, #tpu.memory_space<vmem_shared>>) target(%arg13 : memref<640xf32, #tpu.memory_space<vmem>>) target_semaphore(%run_scoped3A_267 : memref<!tpu.dma_semaphore, #tpu.memory_space<semaphore_mem>>)
        %dma_wait3A_270 = tpu.memref_slice %arg15[%mul3A_45] : memref<10000xf32, #tpu.memory_space<vmem_shared>> -> memref<640xf32, #tpu.memory_space<vmem_shared>>
        %dma_wait3A_271 = tpu.memref_slice %arg15[%mul3A_45] : memref<10000xf32, #tpu.memory_space<vmem_shared>> -> memref<640xf32, #tpu.memory_space<vmem_shared>>
        tpu.wait_dma2 semaphore(%run_scoped3A_267 : memref<!tpu.dma_semaphore, #tpu.memory_space<semaphore_mem>>) src(%dma_wait3A_271 : memref<640xf32, #tpu.memory_space<vmem_shared>>) dst(%arg13 : memref<640xf32, #tpu.memory_space<vmem>>)
        tpu.yield
      }) : () -> ()
      "tpu.region"() ({
        %run_scoped3A_267 = tpu.sem_alloc : memref<!tpu.dma_semaphore, #tpu.memory_space<semaphore_mem>>
        %dma_start3A_268 = tpu.memref_slice %arg8[%mul3A_45] : memref<10000xf32, #tpu.memory_space<hbm>> -> memref<640xf32, #tpu.memory_space<hbm>>
        %dma_start3A_269 = tpu.memref_slice %arg8[%mul3A_45] : memref<10000xf32, #tpu.memory_space<hbm>> -> memref<640xf32, #tpu.memory_space<hbm>>
        tpu.enqueue_dma source(%arg13 : memref<640xf32, #tpu.memory_space<vmem>>) target(%dma_start3A_269 : memref<640xf32, #tpu.memory_space<hbm>>) target_semaphore(%run_scoped3A_267 : memref<!tpu.dma_semaphore, #tpu.memory_space<semaphore_mem>>)
        %dma_wait3A_270 = tpu.memref_slice %arg8[%mul3A_45] : memref<10000xf32, #tpu.memory_space<hbm>> -> memref<640xf32, #tpu.memory_space<hbm>>
        %dma_wait3A_271 = tpu.memref_slice %arg8[%mul3A_45] : memref<10000xf32, #tpu.memory_space<hbm>> -> memref<640xf32, #tpu.memory_space<hbm>>
        tpu.wait_dma2 semaphore(%run_scoped3A_267 : memref<!tpu.dma_semaphore, #tpu.memory_space<semaphore_mem>>) src(%arg13 : memref<640xf32, #tpu.memory_space<vmem>>) dst(%dma_wait3A_271 : memref<640xf32, #tpu.memory_space<hbm>>)
        tpu.yield
      }) : () -> ()
    } else {
    }
    return
  }
}

module attributes {stable_mosaic.version = 14 : i64} {
  func.func @_tail_body(%arg0: i32, %arg1: memref<2000x128xf32, #tpu.memory_space<vmem>>, %arg2: memref<2000x128xf32, #tpu.memory_space<vmem>>, %arg3: memref<2000x1xf32, #tpu.memory_space<vmem>>, %arg4: memref<128x256xf32, #tpu.memory_space<vmem>>, %arg5: memref<128x128xf32, #tpu.memory_space<vmem>>, %arg6: memref<1x128xf32, #tpu.memory_space<vmem>>, %arg7: memref<1x128xf32, #tpu.memory_space<vmem>>, %arg8: memref<2000x128xf32, #tpu.memory_space<vmem>>) attributes {dimension_semantics = [#tpu.dimension_semantics<arbitrary>], iteration_bounds = array<i64: 5>, scalar_prefetch = 0 : i64, scratch_operands = 0 : i64, tpu.core_type = #tpu.core_type<tc>, window_params = [{transform_indices = @transform_0, window_bounds = array<i64: 2000, 128>}, {transform_indices = @transform_1, window_bounds = array<i64: 2000, 128>}, {transform_indices = @transform_2, window_bounds = array<i64: 2000, 1>}, {pipeline_mode = #tpu.pipeline_mode<synchronous>, transform_indices = @transform_3, window_bounds = array<i64: 128, 256>}, {pipeline_mode = #tpu.pipeline_mode<synchronous>, transform_indices = @transform_4, window_bounds = array<i64: 128, 128>}, {pipeline_mode = #tpu.pipeline_mode<synchronous>, transform_indices = @transform_5, window_bounds = array<i64: 1, 128>}, {pipeline_mode = #tpu.pipeline_mode<synchronous>, transform_indices = @transform_6, window_bounds = array<i64: 1, 128>}, {transform_indices = @transform_7, window_bounds = array<i64: 2000, 128>}]} {
    %get3A = arith.constant 0 : index
    %get3A_0 = arith.constant 0 : index
    %get3A_1 = vector.load %arg3[%get3A, %get3A_0] : memref<2000x1xf32, #tpu.memory_space<vmem>>, vector<2000x1xf32>
    %squeeze3A = vector.shape_cast %get3A_1 : vector<2000x1xf32> to vector<2000xf32>
    %get3A_2 = arith.constant 0 : index
    %get3A_3 = arith.constant 0 : index
    %get3A_4 = vector.load %arg1[%get3A_2, %get3A_3] : memref<2000x128xf32, #tpu.memory_space<vmem>>, vector<2000x128xf32>
    %get3A_5 = arith.constant 0 : index
    %get3A_6 = arith.constant 0 : index
    %get3A_7 = vector.load %arg4[%get3A_5, %get3A_6] : memref<128x256xf32, #tpu.memory_space<vmem>>, vector<128x128xf32>
    %dot_general3A = arith.constant dense<0.000000e+00> : vector<2000x128xf32>
    %dot_general3A_8 = tpu.matmul %get3A_4, %get3A_7, %dot_general3A {dimension_numbers = #tpu.dot_dimension_numbers<[1], [1], [0], [0], [0, 0, 1, 0], [], []>, transpose_lhs_hint = false} : vector<2000x128xf32>, vector<128x128xf32>, vector<2000x128xf32> -> vector<2000x128xf32>
    %get3A_9 = arith.constant 0 : index
    %get3A_10 = arith.constant 0 : index
    %get3A_11 = vector.load %arg2[%get3A_9, %get3A_10] : memref<2000x128xf32, #tpu.memory_space<vmem>>, vector<2000x128xf32>
    %get3A_12 = arith.constant 0 : index
    %get3A_13 = arith.constant 128 : index
    %get3A_14 = vector.load %arg4[%get3A_12, %get3A_13] : memref<128x256xf32, #tpu.memory_space<vmem>>, vector<128x128xf32>
    %dot_general3A_15 = arith.constant dense<0.000000e+00> : vector<2000x128xf32>
    %dot_general3A_16 = tpu.matmul %get3A_11, %get3A_14, %dot_general3A_15 {dimension_numbers = #tpu.dot_dimension_numbers<[1], [1], [0], [0], [0, 0, 1, 0], [], []>, transpose_lhs_hint = false} : vector<2000x128xf32>, vector<128x128xf32>, vector<2000x128xf32> -> vector<2000x128xf32>
    %add3A = arith.addf %dot_general3A_8, %dot_general3A_16 : vector<2000x128xf32>
    %broadcast_in_dim3A = vector.shape_cast %squeeze3A : vector<2000xf32> to vector<2000x1xf32>
    %get3A_17 = arith.constant 0 : index
    %get3A_18 = arith.constant 0 : index
    %get3A_19 = vector.load %arg6[%get3A_17, %get3A_18] : memref<1x128xf32, #tpu.memory_space<vmem>>, vector<1x128xf32>
    %mul3A = vector.broadcast %broadcast_in_dim3A : vector<2000x1xf32> to vector<2000x128xf32>
    %mul3A_20 = vector.broadcast %get3A_19 : vector<1x128xf32> to vector<2000x128xf32>
    %mul3A_21 = arith.mulf %mul3A, %mul3A_20 : vector<2000x128xf32>
    %add3A_22 = arith.addf %add3A, %mul3A_21 : vector<2000x128xf32>
    %max3A = arith.constant 1.000000e+00 : f32
    %max3A_23 = vector.broadcast %max3A : f32 to vector<2000xf32>
    %max3A_24 = arith.maximumf %squeeze3A, %max3A_23 : vector<2000xf32>
    %broadcast_in_dim3A_25 = vector.shape_cast %max3A_24 : vector<2000xf32> to vector<2000x1xf32>
    %div3A = vector.broadcast %broadcast_in_dim3A_25 : vector<2000x1xf32> to vector<2000x128xf32>
    %div3A_26 = arith.divf %add3A_22, %div3A : vector<2000x128xf32>
    %get3A_27 = arith.constant 0 : index
    %get3A_28 = arith.constant 0 : index
    %get3A_29 = vector.load %arg5[%get3A_27, %get3A_28] : memref<128x128xf32, #tpu.memory_space<vmem>>, vector<128x128xf32>
    %dot_general3A_30 = arith.constant dense<0.000000e+00> : vector<2000x128xf32>
    %dot_general3A_31 = tpu.matmul %div3A_26, %get3A_29, %dot_general3A_30 {dimension_numbers = #tpu.dot_dimension_numbers<[1], [1], [0], [0], [0, 0, 1, 0], [], []>, transpose_lhs_hint = false} : vector<2000x128xf32>, vector<128x128xf32>, vector<2000x128xf32> -> vector<2000x128xf32>
    %get3A_32 = arith.constant 0 : index
    %get3A_33 = arith.constant 0 : index
    %get3A_34 = vector.load %arg7[%get3A_32, %get3A_33] : memref<1x128xf32, #tpu.memory_space<vmem>>, vector<1x128xf32>
    %add3A_35 = vector.broadcast %get3A_34 : vector<1x128xf32> to vector<2000x128xf32>
    %add3A_36 = arith.addf %dot_general3A_31, %add3A_35 : vector<2000x128xf32>
    %add3A_37 = arith.addf %div3A_26, %add3A_36 : vector<2000x128xf32>
    %ge3A = arith.constant 0.000000e+00 : f32
    %ge3A_38 = vector.broadcast %ge3A : f32 to vector<2000x128xf32>
    %ge3A_39 = arith.cmpf oge, %add3A_37, %ge3A_38 : vector<2000x128xf32>
    %mul3A_40 = arith.constant 0.229166672 : f32
    %mul3A_41 = vector.broadcast %mul3A_40 : f32 to vector<2000x128xf32>
    %mul3A_42 = arith.mulf %add3A_37, %mul3A_41 : vector<2000x128xf32>
    %select_n3A = arith.select %ge3A_39, %add3A_37, %mul3A_42 : vector<2000x128xi1>, vector<2000x128xf32>
    %swap3A = arith.constant 0 : index
    %swap3A_43 = arith.constant 0 : index
    %swap3A_44 = vector.load %arg8[%swap3A, %swap3A_43] : memref<2000x128xf32, #tpu.memory_space<vmem>>, vector<2000x128xf32>
    tpu.vector_store %arg8[%swap3A, %swap3A_43], %select_n3A {strides = array<i32>} : memref<2000x128xf32, #tpu.memory_space<vmem>>, vector<2000x128xf32>,
    return
  }
  func.func @transform_0(%arg0: i32) -> (i32, i32) {
    %c0_i32 = arith.constant 0 : i32
    %c0_i32_0 = arith.constant 0 : i32
    return %arg0, %c0_i32 : i32, i32
  }
  func.func @transform_1(%arg0: i32) -> (i32, i32) {
    %c0_i32 = arith.constant 0 : i32
    %c0_i32_0 = arith.constant 0 : i32
    return %arg0, %c0_i32 : i32, i32
  }
  func.func @transform_2(%arg0: i32) -> (i32, i32) {
    %c0_i32 = arith.constant 0 : i32
    %c0_i32_0 = arith.constant 0 : i32
    return %arg0, %c0_i32 : i32, i32
  }
  func.func @transform_3(%arg0: i32) -> (i32, i32) {
    %c0_i32 = arith.constant 0 : i32
    %c0_i32_0 = arith.constant 0 : i32
    %c0_i32_1 = arith.constant 0 : i32
    return %c0_i32, %c0_i32_0 : i32, i32
  }
  func.func @transform_4(%arg0: i32) -> (i32, i32) {
    %c0_i32 = arith.constant 0 : i32
    %c0_i32_0 = arith.constant 0 : i32
    %c0_i32_1 = arith.constant 0 : i32
    return %c0_i32, %c0_i32_0 : i32, i32
  }
  func.func @transform_5(%arg0: i32) -> (i32, i32) {
    %c0_i32 = arith.constant 0 : i32
    %c0_i32_0 = arith.constant 0 : i32
    %c0_i32_1 = arith.constant 0 : i32
    return %c0_i32, %c0_i32_0 : i32, i32
  }
  func.func @transform_6(%arg0: i32) -> (i32, i32) {
    %c0_i32 = arith.constant 0 : i32
    %c0_i32_0 = arith.constant 0 : i32
    %c0_i32_1 = arith.constant 0 : i32
    return %c0_i32, %c0_i32_0 : i32, i32
  }
  func.func @transform_7(%arg0: i32) -> (i32, i32) {
    %c0_i32 = arith.constant 0 : i32
    %c0_i32_0 = arith.constant 0 : i32
    return %arg0, %c0_i32 : i32, i32
  }
}

</mosaic_0001>

<sc_bundles>
// kernel: kernel.4.cloned.1.call-start
scs
__scs_entry_jumppad:
0x0: {  	(pc) =	sbr.rel $0x88, $3  }
0x1: {  	(tag) =	ssettag $0x0;
	lr =	simm.s32 $0x1  }
0x2: {  	[smem:$0x3F9A] =	sst lr;
	_ =	strace $0xD0000000  }
0x3: {  	_ = 	snop  }
0x4: {  	_ = 	snop  }
0x5: {  	_ = 	snop  }
0x6: {  	_ = 	snop  }
0x7: {  	_ = 	snop  }
__scs_overlays_trampoline_lowered:
0x8: {  	[smem:$0x3FA9] =	sst s0  }
0x9: {  	[smem:$0x3FAA] =	sst s1  }
0xa: {  	[smem:$0x3FAB] =	sst s2  }
0xb: {  	[smem:$0x3FAC] =	sst s3  }
0xc: {  	[smem:$0x3FAD] =	sst s4  }
0xd: {  	[smem:$0x3FAE] =	sst s5  }
0xe: {  	[smem:$0x3FAF] =	sst s6  }
0xf: {  	[smem:$0x3FB0] =	sst s7  }
0x10: {  	[smem:$0x3FB1] =	sst s8  }
0x11: {  	[smem:$0x3FB2] =	sst s9;
	s0 =	simm.s32 @!p0 $0x0  }
0x12: {  	s1 =	sld [smem:$0x3F98];
	s0 =	simm.s32 @p0 $0x1  }
0x13: {  	[smem:$0x3FB3] =	sst s0;
	s0 =	simm.s32 @!p1 $0x0  }
0x14: {  	s2 =	sld [smem:$0x3F97];
	s0 =	simm.s32 @p1 $0x1  }
0x15: {  	[smem:$0x3FB4] =	sst s0;
	s0 =	simm.s32 @!p2 $0x0  }
0x16: {  	s3 =	sld [smem:$0x3FDB];
	s0 =	simm.s32 @p2 $0x1  }
0x17: {  	s4 =	simm.s32 $0x1BF5;
	[smem:$0x3FB6] =	sst s0  }
0x18: {  	s0 =	sld [smem:$0x3F99];
	_ =	swait.ge [sflag:s4], $0x0  }
0x19: {  	s7 =	sld [smem:$0x3F9A]  }
0x1a: {  	s8 =	sadd.s32 $0xFFFFE003, lr  }
0x1b: {  	s9 =	sadd.s32 $0xFFFFFEF7, lr;
	s5 =	simm.s32 $0xFFFFFFFF;
	p2 =	slt.u32 s8, $0xFFFFF086  }
0x1c: {  	p1 =	slt.u32 s9, $0xF7A;
	s5 =	simm.s32 @!p2 $0x0  }
0x1d: {  	s5 =	simm.s32 @p1 $0x1;
	p0 =	seq.s32 s7, s2  }
0x1e: {  	s7 =	smul.u32 @!p0 $0xF7A, s2;
	p2 =	seq.s32 @!p0 s5, $0x0  }
0x1f: {  	s9 =	smul.u32 $0xF7A, s1;
	s8 =	simm.s32 @!p0 $0x1BF5;
	p2 =	por !p2, p0  }
0x20: {  	[sflag:s8] =	ssyncset.s32 @!p0 $0xFFFFF086;
	s6 =	sadd.s32 @!p0 s3, s7;
	s7 =	simm.s32 @!p0 $0x108  }
0x21: {  	s3 =	sadd.s32 s3, s9;
	s6 =	sadd.s32 @!p0 $0x88, s6;
	s7 =	simm.s32 @p2 $0x1082  }
0x22: {  	[simem:s7], [sflag:s8] =	dma.local @!p0 [hbm:s6], $0xF7A  }
0x23: {  	s9 =	sor.u32 $0xD0000000, s2;
	s6 =	simm.s32 $0x108;
	_ =	swait.ge @!p0 [sflag:s8], $0x0  }
0x24: {  	s3 =	sadd.s32 $0x88, s3;
	s6 =	simm.s32 @!p1 $0x1082;
	[sflag:s4] =	ssyncset.s32 $0xFFFFF086  }
0x25: {  	[simem:s6], [sflag:s4] =	dma.local [hbm:s3], $0xF7A  }
0x26: {  	[smem:$0x3F9A] =	sst s1;
	(tag) =	ssettag s2;
	_ =	strace s9  }
0x27: {  	s1 =	sld [smem:$0x3FAA]  }
0x28: {  	s2 =	sld [smem:$0x3FAB]  }
0x29: {  	s4 =	sld [smem:$0x3FAD]  }
0x2a: {  	p0 =	seq.s32 s5, $0x0;
	s5 =	sld [smem:$0x3FAE]  }
0x2b: {  	s6 =	sld [smem:$0x3FAF]  }
0x2c: {  	s7 =	sld [smem:$0x3FB0]  }
0x2d: {  	s3 =	simm.s32 $0x108;
	s8 =	sld [smem:$0x3FB1]  }
0x2e: {  	s3 =	simm.s32 @!p0 $0x1082;
	s9 =	sld [smem:$0x3FB2]  }
0x2f: {  	lr =	sadd.s32 s0, s3;
	s0 =	sld [smem:$0x3FA9]  }
0x30: {  	s3 =	sld [smem:$0x3FAC]  }
0x31: {  	[smem:$0x3FB5] =	sst s10  }
0x32: {  	s10 =	sld [smem:$0x3FB3];
	_ =	sdelay $0x3  }
0x33: {  	p0 =	seq.s32 s10, $0x1;
	s10 =	sld [smem:$0x3FB5];
	_ =	sdelay $0x3  }
0x34: {  	[smem:$0x3FB5] =	sst s10  }
0x35: {  	s10 =	sld [smem:$0x3FB4];
	_ =	sdelay $0x3  }
0x36: {  	p1 =	seq.s32 s10, $0x1;
	s10 =	sld [smem:$0x3FB5];
	_ =	sdelay $0x3  }
0x37: {  	[smem:$0x3FB5] =	sst s10  }
0x38: {  	s10 =	sld [smem:$0x3FB6]  }
0x39: {  	_ = 	snop;
	(pc) =	sbr.ind lr, $3  }
0x3a: {  	_ = 	snop  }
0x3b: {  	_ = 	snop  }
0x3c: {  	p2 =	seq.s32 s10, $0x1;
	s10 =	sld [smem:$0x3FB5]  }
0x3d: {  	_ =	shalt  }
0x3e: {  	_ =	shalt  }
0x3f: {  	_ =	shalt  }
0x40: {  	_ =	shalt  }
0x41: {  	_ =	shalt  }
0x42: {  	_ =	shalt  }
0x43: {  	_ =	shalt  }
0x44: {  	_ =	shalt  }
0x45: {  	_ =	shalt  }
0x46: {  	_ =	shalt  }
0x47: {  	_ =	shalt  }
0x48: {  	_ =	shalt  }
0x49: {  	_ =	shalt  }
0x4a: {  	_ =	shalt  }
0x4b: {  	_ =	shalt  }
0x4c: {  	_ =	shalt  }
0x4d: {  	_ =	shalt  }
0x4e: {  	_ =	shalt  }
0x4f: {  	_ =	shalt  }
0x50: {  	_ =	shalt  }
0x51: {  	_ =	shalt  }
0x52: {  	_ =	shalt  }
0x53: {  	_ =	shalt  }
0x54: {  	_ =	shalt  }
0x55: {  	_ =	shalt  }
0x56: {  	_ =	shalt  }
0x57: {  	_ =	shalt  }
0x58: {  	_ =	shalt  }
0x59: {  	_ =	shalt  }
0x5a: {  	_ =	shalt  }
0x5b: {  	_ =	shalt  }
0x5c: {  	_ =	shalt  }
0x5d: {  	_ =	shalt  }
0x5e: {  	_ =	shalt  }
0x5f: {  	_ =	shalt  }
0x60: {  	_ =	shalt  }
0x61: {  	_ =	shalt  }
0x62: {  	_ =	shalt  }
0x63: {  	_ =	shalt  }
0x64: {  	_ =	shalt  }
0x65: {  	_ =	shalt  }
0x66: {  	_ =	shalt  }
0x67: {  	_ =	shalt  }
0x68: {  	_ =	shalt  }
0x69: {  	_ =	shalt  }
0x6a: {  	_ =	shalt  }
0x6b: {  	_ =	shalt  }
0x6c: {  	_ =	shalt  }
0x6d: {  	_ =	shalt  }
0x6e: {  	_ =	shalt  }
0x6f: {  	_ =	shalt  }
0x70: {  	_ =	shalt  }
0x71: {  	_ =	shalt  }
0x72: {  	_ =	shalt  }
0x73: {  	_ =	shalt  }
0x74: {  	_ =	shalt  }
0x75: {  	_ =	shalt  }
0x76: {  	_ =	shalt  }
0x77: {  	_ =	shalt  }
0x78: {  	_ =	shalt  }
0x79: {  	_ =	shalt  }
0x7a: {  	_ =	shalt  }
0x7b: {  	_ =	shalt  }
0x7c: {  	_ =	shalt  }
0x7d: {  	_ =	shalt  }
0x7e: {  	_ =	shalt  }
0x7f: {  	_ =	shalt  }
0x80: {  	_ =	shalt  }
0x81: {  	_ =	shalt  }
0x82: {  	_ =	shalt  }
0x83: {  	_ =	shalt  }
0x84: {  	_ =	shalt  }
0x85: {  	_ =	shalt  }
0x86: {  	_ =	shalt  }
0x87: {  	_ =	shalt  }
.Lfunc_end0:
.L_simem_size_0:
called_computation_lowered:
.L_overlay_start_0:
0x88: {  	s2 =	sld [smem:$0x3FD9]  }
0x89: {  	s3 =	sld [smem:$0x3FFE];
	_ =	sdelay $0x1  }
0x8a: {  	s1 =	srdreg.scid  }
0x8b: {  	s0 =	sand.u32 $0x1, s1  }
0x8c: {  	s17 =	sshll.u32 s0, $0xA;
	s2 =	sadd.s32 s3, s2  }
0x8d: {  	s2 =	sadd.s32 s2, s17  }
0x8e: {  	[smem:$0x3FC1] =	sst s2  }
0x8f: {  	_ = 	snop  }
0x90: {  	s2 =	sld [smem:$0x3FC9]  }
0x91: {  	s18 =	sld [smem:$0x3FC8]  }
0x92: {  	s4 =	sld [smem:$0x3FD0];
	(tm) =	ssettm $0x1  }
0x93: {  	s5 =	sld [smem:$0x3FFB];
	_ =	sdelay $0x3  }
0x94: {  	_ =	strace s5  }
0x95: {  	s5 =	sld [smem:$0x3FFC];
	_ =	sdelay $0x3  }
0x96: {  	_ =	strace s5  }
0x97: {  	s5 =	sld [smem:$0x3FFD];
	_ =	sdelay $0x3  }
0x98: {  	_ =	strace s5  }
0x99: {  	_ =	strace $0x8FFFFFFF  }
0x9a: {  	s19 =	sld [smem:$0x3FDB];
	_ =	sdelay $0x1  }
0x9b: {  	s6 =	simm.s32 $_scs_section_size  }
0x9c: {  	s7 =	simm.s32 $_size__tile_overlayer_lowered;
	s8 =	simm.s32 $_tile_overlayer_lowered  }
0x9d: {  	s22 =	simm.s32 $0x1BFF;
	s21 =	sshll.u32 s8, $0x1;
	s5 =	sadd.s32 s6, s19  }
0x9e: {  	s9 =	simm.s32 $0x0;
	s20 =	sshll.u32 s7, $0x1;
	s7 =	sadd.s32 s21, s5  }
0x9f: {  	[timem:s9], [sflag:s22] =	dma.local [hbm:s7], s20  }
0xa0: {  	_ =	swait.ge [sflag:s22], s20  }
0xa1: {  	s6 =	ssub.s32 $0x0, s20;
	[sflag:s22] =	ssyncset.done $0x0  }
0xa2: {  	[sflag:s22] =	ssyncadd.s32 s6;
	_ =	sdelay $0x1  }
0xa3: {  	s23 =	simm.s32 $0x1B8B  }
0xa4: {  	_ =	swait.ge [sflag:s23], $0x1  }
0xa5: {  	[sflag:s23] =	ssyncset.done $0x0  }
0xa6: {  	s25 =	simm.s32 $0x1B8E;
	s24 =	sld [smem:$0x3FFE];
	[sflag:s23] =	ssyncadd.s32 $0xFFFFFFFF  }
0xa7: {  	s26 =	simm.s32 $execute0_lowered;
	[smem:$0x3FD2] =	sst s25  }
0xa8: {  	s7 =	sshll.u32 s26, $0x1;
	_ =	strace $0x80000046;
	[dreg:$0x1] =	wrdreg $0xFFFFFFFF  }
0xa9: {  	s28 =	simm.s32 $_size_execute0_lowered;
	s5 =	sadd.s32 s5, s7;
	[dreg:$0x0] =	wrdreg $0x0  }
0xaa: {  	s7 =	sshll.u32 s28, $0x1;
	[dreg:$0x2] =	wrdreg s5  }
0xab: {  	[dreg:$0x3] =	wrdreg s7  }
0xac: {  	[dreg:$0x4] =	wrdreg $0xC0  }
0xad: {  	_ =	task [dreg:s9], $0x5FFFF  }
0xae: {  	[dreg:$0x1] =	wrdreg $0xFFFFFFFF  }
0xaf: {  	[dreg:$0x0] =	wrdreg $0x60  }
0xb0: {  	[dreg:$0x2] =	wrdreg s24  }
0xb1: {  	[dreg:$0x3] =	wrdreg s2  }
0xb2: {  	[dreg:$0x4] =	wrdreg s18  }
0xb3: {  	[dreg:$0x5] =	wrdreg s4  }
0xb4: {  	[dreg:$0x6] =	wrdreg $0xB3000  }
0xb5: {  	[dreg:$0x7] =	wrdreg $0x1EB800  }
0xb6: {  	[dreg:$0x8] =	wrdreg $0x9  }
0xb7: {  	_ =	task.clear_ibuf [dreg:s9], $0x9FFFF;
	_ =	strace $0x90000046  }
0xb8: {  	s29 =	simm.s32 $0x9;
	_ =	strace $0x80000048  }
0xb9: {  	_ =	swait.ge [sflag:s29], $0x1  }
0xba: {  	[sflag:s29] =	ssyncadd.s32 $0xFFFFFFFF  }
0xbb: {  	_ =	strace $0x90000048  }
0xbc: {  	_ =	sfence  }
0xbd: {  	s30 =	sld [smem:$0x0];
	_ =	sdelay $0x2  }
0xbe: {  	s31 =	sshll.u32 s1, $0xD;
	s1 =	sshrl.u32 s1, $0x2  }
0xbf: {  	s3 =	sand.u32 $0x4000, s31;
	s1 =	sadd.s32 s1, s30  }
0xc0: {  	s0 =	sor.u32 s3, s0;
	s1 =	sshll.u32 s1, $0x11  }
0xc1: {  	s0 =	sor.u32 s1, s0  }
0xc2: {  	s0 =	sadd.s32 $0x8F2B, s0  }
0xc3: {  	[sflag:s0] =	ssyncadd.remote.s32 $0x1  }
0xc4: {  	_ =	sfence.sel $0xFFFF  }
0xc5: {  	[dreg:$0x0] =	wrdreg $0xFFFFFFFF;
	(pc) =	sbr.abs _section_cstart, $3  }
0xc6: {  	[dreg:$0x1] =	wrdreg $0xFFFFFFFF  }
0xc7: {  	_ =	task.clear_ibuf [dreg:s9], $0x2FFFF;
	_ =	strace $0x9FFFFFFF  }
0xc8: {  	(tm) =	ssettm $0x7FFFFFFF  }
0xc9: {  	_ =	shalt  }
tec
execute0_lowered:
.L_overlay_start_1:
0x0: {  	(tag) =	ssettag $0x1  }
0x1: {  	s10 =	rddreg [dreg:$0x0]  }
0x2: {  	s3 =	rddreg [dreg:$0x2]  }
0x3: {  	s22 =	stileid.u32;
	s6 =	rddreg [dreg:$0x3]  }
0x4: {  	s4 =	rddreg [dreg:$0x4];
	s11 =	smul.u32 $0x9C4, s22  }
0x5: {  	s8 =	simm.s32 $0x0;
	s15 =	srdreg.scid;
	s17 =	simm.s32 $0x1  }
0x6: {  	[smem:$0x7FF] =	sst s8;
	s28 =	smul.u32 $0x13800, s22;
	s1 =	sadd.s32 $0x9C4, s11  }
0x7: {  	s8 =	sadd.s32 $0xC00, s10;
	s0 =	sshrl.u32 s11, $0x4;
	s2 =	sshrl.u32 s1, $0x4  }
0x8: {  	s30 =	smul.u32 $0x4E000, s22;
	s21 =	sshrl.u32 s28, $0x3;
	s2 =	ssub.s32 s2, s0  }
0x9: {  	s23 =	sadd.s32 s28, s4;
	s11 =	sand.u32 $0xFFF0, s11;
	s12 =	sadd.s32 $0xFFFFFFFF, s2  }
0xa: {  	s1 =	rddreg [dreg:$0x1];
	s25 =	sadd.s32 s21, s10;
	s5 =	sshrl.u32 s12, $0x1B  }
0xb: {  	s28 =	sadd.s32 s8, s11;
	s7 =	sand.u32 $0xF, s5;
	s5 =	rddreg [dreg:$0x5]  }
0xc: {  	s6 =	sadd.s32 s6, s21;
	_ =	strace $0x80000047;
	[dreg:$0x9] =	wrdreg s28  }
0xd: {  	p0 =	slt.s32 s2, $0x2;
	[dreg:$0xc] =	wrdreg s6;
	s9 =	sadd.s32 s7, s12  }
0xe: {  	[dreg:$0x8] =	wrdreg s23;
	s7 =	sand.u32 $0xFFFFFFF0, s9;
	s16 =	sshll.u32 s9, $0x10  }
0xf: {  	s9 =	sand.u32 $0x1, s15;
	s13 =	ssub.s32 s12, s7;
	s7 =	sadd.s32 $0xAA00, s10  }
0x10: {  	s26 =	sshra.s32 s16, $0x14;
	s18 =	ssub.s32 $0x2, s9;
	p3 =	sne.s32 s9, $0x0  }
0x11: {  	s14 =	sand.u32 $0xFFFF, s13;
	s19 =	sshrl.u32 s18, $0x1;
	s13 =	sshll.u32 s13, $0x10  }
0x12: {  	p1 =	sne.s32 s14, $0x0;
	s14 =	smul.u32 $0x270, s22;
	s18 =	ssub.s32 s18, s19  }
0x13: {  	s19 =	sshrl.u32 s30, $0x2;
	s13 =	sshra.s32 s13, $0x10;
	p0 =	por !p0, !p1  }
0x14: {  	s19 =	sadd.s32 s19, s4;
	s13 =	sshll.u32 s13, $0x9;
	p0 =	por !p0, !p0  }
0x15: {  	s29 =	sshrl.u32 s14, $0x3;
	s21 =	sadd.s32 $0x10000, s19;
	s17 =	simm.s32 @!p0 $0x0  }
0x16: {  	s13 =	sshra.s32 s13, $0x2;
	[dreg:$0x11] =	wrdreg s21;
	s15 =	ssub.s32 s26, s17  }
0x17: {  	s17 =	sadd.s32 s29, s10;
	s26 =	sshll.u32 s0, $0x7;
	s20 =	smul.u32 $0x5556, s15  }
0x18: {  	s10 =	sadd.s32 $0x100, s11;
	s0 =	sshll.u32 s0, $0xB;
	[dreg:$0x7] =	wrdreg s26  }
0x19: {  	s0 =	sadd.s32 s0, s3;
	s31 =	sshrl.u32 s20, $0x1F;
	s20 =	sshrl.u32 s20, $0x10  }
0x1a: {  	s26 =	sadd.s32 s8, s10;
	[dreg:$0xd] =	wrdreg s0;
	s24 =	sadd.s32 s31, s20  }
0x1b: {  	[dreg:$0x14] =	wrdreg s26;
	s31 =	sadd.s32 $0x4000, s19;
	s16 =	smul.u32 $0x3, s24  }
0x1c: {  	s29 =	sand.u32 $0x8000, s12;
	s20 =	sadd.s32 $0xC000, s19;
	[dreg:$0xb] =	wrdreg s31  }
0x1d: {  	s0 =	sadd.s32 s7, s10;
	[dreg:$0x10] =	wrdreg s20;
	s15 =	ssub.s32 s15, s16  }
0x1e: {  	s24 =	sadd.s32 s7, s11;
	s31 =	smax.u32 s18, $0x1;
	s15 =	sshll.u32 s15, $0x10  }
0x1f: {  	[dreg:$0x13] =	wrdreg s24;
	s16 =	sshrl.u32 s29, $0xF;
	s15 =	sshra.s32 s15, $0x10  }
0x20: {  	[dreg:$0x19] =	wrdreg s31;
	s16 =	sadd.s32 s16, s12;
	s15 =	sshll.u32 s15, $0xD  }
0x21: {  	s29 =	sadd.s32 $0x14E00, s25;
	s16 =	sand.u32 $0xFFFFFFFE, s16;
	s30 =	sshra.s32 s15, $0x2  }
0x22: {  	s16 =	ssub.s32 s12, s16;
	s12 =	sadd.s32 s13, s30;
	s13 =	sadd.s32 $0x100, s28  }
0x23: {  	[dreg:$0x17] =	wrdreg s29;
	s22 =	sshll.u32 s16, $0x10;
	s0 =	smov.u32 @p3 s13  }
0x24: {  	p4 =	seq.s32 s9, $0x1;
	[dreg:$0xe] =	wrdreg s0;
	s0 =	sshra.s32 s22, $0x2  }
0x25: {  	p0 =	slt.s32 s2, $0x1;
	[dreg:$0xa] =	wrdreg s16;
	s0 =	sor.u32 $0x3000, s0  }
0x26: {  	s15 =	sadd.s32 $0x8000, s19;
	[dreg:$0x15] =	wrdreg s0;
	s0 =	simm.s32 @!p0 $0x0  }
0x27: {  	[dreg:$0xf] =	wrdreg s15;
	s0 =	simm.s32 @p0 $0x1;
	p0 =	seq.s32 s9, $0x0  }
0x28: {  	s30 =	sadd.s32 $0x14800, s17;
	[smem:$0x7FA] =	sst s0;
	s0 =	simm.s32 @!p0 $0x0  }
0x29: {  	s28 =	sadd.s32 $0x1800, s12;
	[dreg:$0x18] =	wrdreg s30;
	s0 =	simm.s32 @p0 $0x1  }
.Ltmp0:
0x2a: {  	[smem:$0x7FB] =	sst s0;
	s0 =	simm.s32 @!p4 $0x0;
	(pc) =	sbr.rel .LBB2_1-.Ltmp0, $4  }
0x2b: {  	p6 =	por !p4, !p4;
	[dreg:$0x16] =	wrdreg s28;
	s0 =	simm.s32 @p4 $0x1  }
0x2c: {  	s13 =	sadd.s32 s14, s5;
	[smem:$0x7FC] =	sst s0;
	s0 =	simm.s32 @!p6 $0x0  }
0x2d: {  	[dreg:$0x12] =	wrdreg s13;
	s0 =	simm.s32 @p6 $0x1  }
0x2e: {  	v0 =	vimm.f32 $0.0e+00;
	v1 =	vimm.f32 $1.000000000e+00;
	s12 =	simm.s32 $0x0;
	[smem:$0x7FD] =	sst s0  }
.LBB2_8:
0x2f: {  	s0 =	simm.s32 $0x1  }
.LBB2_11:
0x30: {  	_ =	swait.ge [sflag:s0], $0x4000  }
0x31: {  	[sflag:s0] =	ssyncset.done $0x0  }
0x32: {  	[sflag:s0] =	ssyncadd.s32 $0xFFFFC000  }
.LBB2_12:
0x33: {  	s0 =	rddreg [dreg:$0x15]  }
0x34: {  	s30 =	sld [smem:$0x7FB]  }
0x35: {  	s11 =	rddreg [dreg:$0x16];
	s3 =	simm.s32 $0x80  }
0x36: {  	[spmem:s4] =	stream.indirect.scatter.add.f32 [tilespmem:s0], [sflag:$0x3], $0x80, s11, s3, $0xb8;
	[tilespmem:$0x1EDF8] =	vst v63  }
0x37: {  	p1 =	seq.s32 s30, $0x1  }
0x38: {  	s0 =	simm.s32 @p1 $0x3  }
0x39: {  	_ =	swait.ge @p1 [sflag:s0], $0x4000  }
0x3a: {  	[sflag:s0] =	ssyncset.done @p1 $0x0  }
0x3b: {  	[sflag:s0] =	ssyncadd.s32 @p1 $0xFFFFC000  }
0x3c: {  	_ =	swait.ge @p1 [sflag:s0], $0x4000  }
0x3d: {  	[sflag:s0] =	ssyncset.done @p1 $0x0  }
0x3e: {  	[sflag:s0] =	ssyncadd.s32 @p1 $0xFFFFC000;
	s0 =	simm.s32 @p1 $0x5  }
0x3f: {  	_ =	swait.ge @p1 [sflag:s0], $0x800  }
0x40: {  	[sflag:s0] =	ssyncset.done @p1 $0x0  }
0x41: {  	[sflag:s0] =	ssyncadd.s32 @p1 $0xFFFFF800  }
0x42: {  	_ =	swait.ge @p1 [sflag:s0], $0x800  }
0x43: {  	[sflag:s0] =	ssyncset.done @p1 $0x0  }
0x44: {  	s6 =	stileid.u32;
	[sflag:s0] =	ssyncadd.s32 @p1 $0xFFFFF800  }
0x45: {  	s0 =	sshll.u32 @p1 s6, $0x6;
	[bflag:$0x0] =	sbarrier.arrive @p1 $0xFFFF  }
0x46: {  	s3 =	sshrl.u32 @p1 s23, $0x3;
	s0 =	sor.u32 @p1 $0x1C06, s0;
	s10 =	rddreg [dreg:$0xc]  }
0x47: {  	[hbm:s10], [sflag:s0] =	dma.local @p1 [spmem:s3], $0x2800  }
0x48: {  	s0 =	simm.s32 @p1 $0x6  }
0x49: {  	_ =	swait.ge @p1 [sflag:s0], $0x2800  }
0x4a: {  	[sflag:s0] =	ssyncset.done @p1 $0x0  }
0x4b: {  	s3 =	simm.s32 @!p1 $0xB000;
	[sflag:s0] =	ssyncadd.s32 @p1 $0xFFFFD800;
	s0 =	simm.s32 @!p1 $0x80  }
0x4c: {  	[spmem:s5] =	stream.indirect.scatter.add.f32 @!p1 [tilespmem:s3], [sflag:$0x4], $0x1, s11, s0, $0xb8;
	[tilespmem:$0x1EDF8] =	vst v63  }
0x4d: {  	s0 =	simm.s32 @!p1 $0x3  }
0x4e: {  	_ =	swait.ge @!p1 [sflag:s0], $0x4000  }
0x4f: {  	[sflag:s0] =	ssyncset.done @!p1 $0x0  }
0x50: {  	[sflag:s0] =	ssyncadd.s32 @!p1 $0xFFFFC000  }
0x51: {  	_ =	swait.ge @!p1 [sflag:s0], $0x4000  }
0x52: {  	[sflag:s0] =	ssyncset.done @!p1 $0x0  }
0x53: {  	[sflag:s0] =	ssyncadd.s32 @!p1 $0xFFFFC000;
	s0 =	simm.s32 @!p1 $0x5  }
0x54: {  	_ =	swait.ge @!p1 [sflag:s0], $0x800  }
0x55: {  	[sflag:s0] =	ssyncset.done @!p1 $0x0  }
0x56: {  	[sflag:s0] =	ssyncadd.s32 @!p1 $0xFFFFF800;
	s0 =	simm.s32 @!p1 $0x4  }
0x57: {  	_ =	swait.ge @!p1 [sflag:s0], $0x80  }
0x58: {  	[sflag:s0] =	ssyncset.done @!p1 $0x0  }
0x59: {  	[sflag:s0] =	ssyncadd.s32 @!p1 $0xFFFFFF80  }
0x5a: {  	_ =	swait.ge @!p1 [sflag:s0], $0x80  }
0x5b: {  	[sflag:s0] =	ssyncset.done @!p1 $0x0  }
0x5c: {  	[sflag:s0] =	ssyncadd.s32 @!p1 $0xFFFFFF80  }
0x5d: {  	s0 =	sshll.u32 @!p1 s6, $0x6;
	[bflag:$0x0] =	sbarrier.arrive @!p1 $0xFFFF  }
0x5e: {  	s3 =	sshrl.u32 @!p1 s23, $0x3;
	s0 =	sor.u32 @!p1 $0x1C06, s0;
	s6 =	rddreg [dreg:$0x17]  }
0x5f: {  	[hbm:s6], [sflag:s0] =	dma.local @!p1 [spmem:s3], $0x2800  }
0x60: {  	s0 =	simm.s32 @!p1 $0x6  }
0x61: {  	_ =	swait.ge @!p1 [sflag:s0], $0x2800  }
0x62: {  	[sflag:s0] =	ssyncset.done @!p1 $0x0  }
0x63: {  	s3 =	simm.s32 @!p1 $0xB080;
	[sflag:s0] =	ssyncadd.s32 @!p1 $0xFFFFD800  }
0x64: {  	[tilespmem:s3], [sflag:$0x6] =	stream.linear.gather @!p1 [spmem:s13], $0x280, $0x38;
	[tilespmem:$0x1EDF8] =	vst v63  }
0x65: {  	_ =	swait.ge @!p1 [sflag:s0], $0x280  }
0x66: {  	[sflag:s0] =	ssyncset.done @!p1 $0x0  }
0x67: {  	s6 =	simm.s32 @!p1 $0x0;
	s11 =	rddreg [dreg:$0x18];
	[sflag:s0] =	ssyncadd.s32 @!p1 $0xFFFFFD80  }
0x68: {  	[hbm4b:s11+s6] =	stream.linear.scatter @!p1 [tilespmem:s3], [sflag:$0x6], $0x280, $0x38;
	[tilespmem:$0x1EDF8] =	vst v63  }
0x69: {  	_ =	swait.ge @!p1 [sflag:s0], $0x280  }
0x6a: {  	s12 =	sadd.s32 $0x1, s12;
	s31 =	rddreg [dreg:$0x19]  }
0x6b: {  	p0 =	sne.s32 s12, s31  }
.Ltmp1:
0x6c: {  	_ = 	snop;
	(pc) =	sbr.rel @!p0 .LBB2_13-.Ltmp1, $3  }
0x6d: {  	_ =	sdelay $0x1  }
0x6e: {  	[sflag:s0] =	ssyncset.done @!p1 $0x0  }
0x6f: {  	s10 =	stileid.u32;
	[sflag:s0] =	ssyncadd.s32 @!p1 $0xFFFFFD80  }
.LBB2_1:
0x70: {  	s0 =	simm.s32 $0x0;
	s3 =	simm.s32 $0x200  }
.LBB2_2:
0x71: {  	p0 =	sne.s32 s3, $0xFE00;
	[tilespmem:s0+$0x3070] =	vst v0  }
0x72: {  	[tilespmem:s0+$0x3000] =	vst v0  }
0x73: {  	[tilespmem:s0+$0x3010] =	vst v0  }
.Ltmp2:
0x74: {  	[tilespmem:s0+$0x3020] =	vst v0;
	(pc) =	sbr.rel @p0 .LBB2_2-.Ltmp2, $4  }
0x75: {  	[tilespmem:s0+$0x3030] =	vst v0  }
0x76: {  	[tilespmem:s0+$0x3040] =	vst v0  }
0x77: {  	[tilespmem:s0+$0x3050] =	vst v0  }
0x78: {  	[tilespmem:s0+$0x3060] =	vst v0;
	s0 =	sshra.s32 s3, $0x2;
	s3 =	sadd.s32 $0x200, s3  }
0x79: {  	[tilespmem:s0+$0x3070] =	vst v0  }
0x7a: {  	[tilespmem:s0+$0x3000] =	vst v0  }
0x7b: {  	[tilespmem:s0+$0x3010] =	vst v0  }
0x7c: {  	[tilespmem:s0+$0x3020] =	vst v0  }
0x7d: {  	[tilespmem:s0+$0x3030] =	vst v0  }
0x7e: {  	[tilespmem:s0+$0x3040] =	vst v0  }
0x7f: {  	[tilespmem:s0+$0x3050] =	vst v0  }
0x80: {  	[tilespmem:s0+$0x3060] =	vst v0  }
0x81: {  	[tilespmem:$0xB080] =	vst v0  }
0x82: {  	[tilespmem:$0xB090] =	vst v0  }
0x83: {  	[tilespmem:$0xB0A0] =	vst v0  }
0x84: {  	[tilespmem:$0xB0B0] =	vst v0  }
0x85: {  	[tilespmem:$0xB0C0] =	vst v0  }
0x86: {  	[tilespmem:$0xB0D0] =	vst v0  }
0x87: {  	[tilespmem:$0xB0E0] =	vst v0  }
0x88: {  	[tilespmem:$0xB0F0] =	vst v0  }
0x89: {  	[tilespmem:$0xB100] =	vst v0  }
0x8a: {  	[tilespmem:$0xB110] =	vst v0  }
0x8b: {  	[tilespmem:$0xB120] =	vst v0  }
0x8c: {  	[tilespmem:$0xB130] =	vst v0  }
0x8d: {  	[tilespmem:$0xB140] =	vst v0  }
0x8e: {  	[tilespmem:$0xB150] =	vst v0  }
0x8f: {  	[tilespmem:$0xB160] =	vst v0  }
0x90: {  	[tilespmem:$0xB170] =	vst v0  }
0x91: {  	[tilespmem:$0xB180] =	vst v0  }
0x92: {  	[tilespmem:$0xB190] =	vst v0  }
0x93: {  	[tilespmem:$0xB1A0] =	vst v0  }
0x94: {  	[tilespmem:$0xB1B0] =	vst v0  }
0x95: {  	[tilespmem:$0xB1C0] =	vst v0  }
0x96: {  	[tilespmem:$0xB1D0] =	vst v0  }
0x97: {  	[tilespmem:$0xB1E0] =	vst v0  }
0x98: {  	[tilespmem:$0xB1F0] =	vst v0  }
0x99: {  	[tilespmem:$0xB200] =	vst v0  }
0x9a: {  	[tilespmem:$0xB210] =	vst v0  }
0x9b: {  	[tilespmem:$0xB220] =	vst v0  }
0x9c: {  	[tilespmem:$0xB230] =	vst v0  }
0x9d: {  	[tilespmem:$0xB240] =	vst v0  }
0x9e: {  	[tilespmem:$0xB250] =	vst v0  }
0x9f: {  	[tilespmem:$0xB260] =	vst v0  }
0xa0: {  	[tilespmem:$0xB270] =	vst v0  }
0xa1: {  	[tilespmem:$0xB280] =	vst v0  }
0xa2: {  	[tilespmem:$0xB290] =	vst v0  }
0xa3: {  	[tilespmem:$0xB2A0] =	vst v0  }
0xa4: {  	[tilespmem:$0xB2B0] =	vst v0  }
0xa5: {  	[tilespmem:$0xB2C0] =	vst v0  }
0xa6: {  	[tilespmem:$0xB2D0] =	vst v0  }
0xa7: {  	[tilespmem:$0xB2E0] =	vst v0  }
0xa8: {  	[tilespmem:$0xB2F0] =	vst v0  }
0xa9: {  	[tilespmem:$0xB000] =	vst v1  }
0xaa: {  	[tilespmem:$0xB010] =	vst v1  }
0xab: {  	[tilespmem:$0xB020] =	vst v1  }
0xac: {  	[tilespmem:$0xB030] =	vst v1  }
0xad: {  	[tilespmem:$0xB040] =	vst v1  }
0xae: {  	[tilespmem:$0xB050] =	vst v1  }
0xaf: {  	[tilespmem:$0xB060] =	vst v1  }
0xb0: {  	s3 =	simm.s32 $0x3000;
	s6 =	simm.s32 $0x6;
	[tilespmem:$0xB070] =	vst v1  }
0xb1: {  	[spmem:s23] =	stream.linear.scatter [tilespmem:s3], [sflag:$0x6], $0x4000, $0x38;
	[tilespmem:$0x1EDF8] =	vst v63  }
0xb2: {  	_ =	swait.ge [sflag:s6], $0x4000  }
0xb3: {  	[sflag:s6] =	ssyncset.done $0x0  }
0xb4: {  	s21 =	rddreg [dreg:$0xb];
	[sflag:s6] =	ssyncadd.s32 $0xFFFFC000  }
0xb5: {  	[spmem:s21] =	stream.linear.scatter [tilespmem:s3], [sflag:$0x6], $0x4000, $0x38;
	[tilespmem:$0x1EDF8] =	vst v63  }
0xb6: {  	_ =	swait.ge [sflag:s6], $0x4000  }
0xb7: {  	[sflag:s6] =	ssyncset.done $0x0  }
0xb8: {  	s22 =	rddreg [dreg:$0xf];
	[sflag:s6] =	ssyncadd.s32 $0xFFFFC000  }
0xb9: {  	[spmem:s22] =	stream.linear.scatter [tilespmem:s3], [sflag:$0x6], $0x4000, $0x38;
	[tilespmem:$0x1EDF8] =	vst v63  }
0xba: {  	_ =	swait.ge [sflag:s6], $0x4000  }
0xbb: {  	[sflag:s6] =	ssyncset.done $0x0  }
0xbc: {  	s24 =	rddreg [dreg:$0x10];
	[sflag:s6] =	ssyncadd.s32 $0xFFFFC000  }
0xbd: {  	[spmem:s24] =	stream.linear.scatter [tilespmem:s3], [sflag:$0x6], $0x4000, $0x38;
	[tilespmem:$0x1EDF8] =	vst v63  }
0xbe: {  	_ =	swait.ge [sflag:s6], $0x4000  }
0xbf: {  	[sflag:s6] =	ssyncset.done $0x0  }
0xc0: {  	s25 =	rddreg [dreg:$0x11];
	[sflag:s6] =	ssyncadd.s32 $0xFFFFC000  }
0xc1: {  	[spmem:s25] =	stream.linear.scatter [tilespmem:s3], [sflag:$0x6], $0x4000, $0x38;
	[tilespmem:$0x1EDF8] =	vst v63  }
0xc2: {  	_ =	swait.ge [sflag:s6], $0x4000  }
0xc3: {  	[sflag:s6] =	ssyncset.done $0x0  }
0xc4: {  	s26 =	simm.s32 $0xB080;
	[sflag:s6] =	ssyncadd.s32 $0xFFFFC000  }
0xc5: {  	[spmem:s13] =	stream.linear.scatter [tilespmem:s26], [sflag:$0x6], $0x280, $0x38;
	[tilespmem:$0x1EDF8] =	vst v63  }
0xc6: {  	_ =	swait.ge [sflag:s6], $0x280  }
0xc7: {  	[sflag:s6] =	ssyncset.done $0x0  }
0xc8: {  	[sflag:s6] =	ssyncadd.s32 $0xFFFFFD80  }
0xc9: {  	[bflag:$0x0] =	sbarrier.arrive $0xFFFF  }
0xca: {  	s28 =	simm.s32 $0x0;
	s10 =	simm.s32 $0x1800;
	s29 =	rddreg [dreg:$0x9]  }
0xcb: {  	[tilespmem:s10], [sflag:$0x6] =	stream.linear.gather [hbm4b:s29+s28], $0x800, $0x38;
	[tilespmem:$0x1EDF8] =	vst v63  }
0xcc: {  	_ =	swait.ge [sflag:s6], $0x800  }
0xcd: {  	[sflag:s6] =	ssyncset.done $0x0  }
0xce: {  	s0 =	simm.s32 @!p3 $0x0;
	s3 =	rddreg [dreg:$0x13];
	[sflag:s6] =	ssyncadd.s32 $0xFFFFF800  }
0xcf: {  	[tilespmem:s0], [sflag:$0x6] =	stream.linear.gather @!p3 [hbm4b:s3+s0], $0x800, $0x38;
	[tilespmem:$0x1EDF8] =	vst v63  }
0xd0: {  	s3 =	simm.s32 @!p3 $0x6  }
0xd1: {  	_ =	swait.ge @!p3 [sflag:s3], $0x800  }
0xd2: {  	s31 =	sld [smem:$0x7FA];
	_ =	sdelay $0x2  }
0xd3: {  	[sflag:s3] =	ssyncset.done @!p3 $0x0;
	s6 =	rddreg [dreg:$0x14];
	p0 =	seq.s32 s31, $0x1  }
.Ltmp3:
0xd4: {  	[sflag:s3] =	ssyncadd.s32 @!p3 $0xFFFFF800;
	s3 =	simm.s32 @!p3 $0x2000;
	(pc) =	sbr.rel @p0 .LBB2_7-.Ltmp3, $4  }
0xd5: {  	[tilespmem:s3], [sflag:$0x5] =	stream.linear.gather @!p3 [hbm4b:s6+s0], $0x800, $0x38;
	[tilespmem:$0x1EDF8] =	vst v63  }
0xd6: {  	s3 =	simm.s32 @!p3 $0x800  }
0xd7: {  	s30 =	rddreg [dreg:$0xe];
	s0 =	simm.s32 $0x0;
	s3 =	simm.s32 @p3 $0x2000  }
0xd8: {  	[tilespmem:s3], [sflag:$0x5] =	stream.linear.gather [hbm4b:s30+s0], $0x800, $0x38;
	[tilespmem:$0x1EDF8] =	vst v63  }
0xd9: {  	p0 =	por $0x1, $0x1  }
0xda: {  	[dreg:$0x1a] =	wrdreg s12;
	s3 =	simm.s32 @!p0 $0x3  }
0xdb: {  	p1 =	seq.s32 @!p0 s9, $0x0;
	_ =	swait.ge @!p0 [sflag:s3], $0x4000  }
0xdc: {  	s6 =	sand.u32 $0xF, s0;
	p2 =	por p1, p0;
	[sflag:s3] =	ssyncset.done @!p0 $0x0  }
0xdd: {  	p5 =	por $0x1, $0x1;
	[sflag:s3] =	ssyncadd.s32 @!p0 $0xFFFFC000;
	s3 =	simm.s32 @!p2 $0x4  }
0xde: {  	p0 =	sne.s32 @!p5 s6, $0x0;
	_ =	swait.ge @!p2 [sflag:s3], $0x80  }
0xdf: {  	p1 =	por p0, p5;
	[sflag:s3] =	ssyncset.done @!p2 $0x0  }
0xe0: {  	[sflag:s3] =	ssyncadd.s32 @!p2 $0xFFFFFF80;
	s3 =	simm.s32 @!p1 $0x5  }
0xe1: {  	p2 =	sne.s32 @!p1 s9, $0x0;
	_ =	swait.ge @!p1 [sflag:s3], $0x800  }
0xe2: {  	s11 =	simm.s32 @!p1 $0x1;
	p0 =	por @!p5 p2, p0;
	[sflag:s3] =	ssyncset.done @!p1 $0x0  }
0xe3: {  	p0 =	por p0, p5;
	[sflag:s3] =	ssyncadd.s32 @!p1 $0xFFFFF800;
	s3 =	smulhi.u32 @!p1 $0x55555556, s11  }
0xe4: {  	s12 =	simm.s32 @!p0 $0x5  }
0xe5: {  	_ =	swait.ge @!p0 [sflag:s12], $0x800;
	s3 =	smul.u32 @!p1 $0x3, s3  }
0xe6: {  	s28 =	simm.s32 $0x0;
	s11 =	rddreg [dreg:$0x7]  }
0xe7: {  	s13 =	simm.s32 @!p1 $0x0;
	s11 =	sadd.s32 @!p1 $0x800, s11;
	s3 =	ssub.s32 @!p1 $0x1, s3  }
0xe8: {  	[sflag:s12] =	ssyncset.done @!p0 $0x0;
	s11 =	sshrl.u32 @!p1 s11, $0x3;
	s3 =	sshll.u32 @!p1 s3, $0xB  }
0xe9: {  	[sflag:s12] =	ssyncadd.s32 @!p0 $0xFFFFF800;
	s12 =	sadd.s32 @!p1 s8, s11;
	s14 =	sadd.s32 @!p1 $0x1800, s3  }
0xea: {  	[tilespmem:s14], [sflag:$0x5] =	stream.linear.gather @!p1 [hbm4b:s12+s13], $0x800, $0x38;
	[tilespmem:$0x1EDF8] =	vst v63  }
0xeb: {  	s29 =	sand.u32 $0x1, s0;
	s12 =	smulhi.u32 $0x55555556, s28  }
0xec: {  	s30 =	sor.u32 s9, s29  }
0xed: {  	s17 =	simm.s32 @!p0 $0x0;
	s11 =	sadd.s32 @!p0 s7, s11;
	s12 =	smul.u32 $0x3, s12  }
0xee: {  	[tilespmem:s3], [sflag:$0x5] =	stream.linear.gather @!p0 [hbm4b:s11+s17], $0x800, $0x38;
	[tilespmem:$0x1EDF8] =	vst v63  }
0xef: {  	p0 =	sne.s32 s30, $0x0;
	s3 =	ssub.s32 $0x0, s12  }
0xf0: {  	s11 =	sshll.u32 @!p0 s3, $0xB  }
0xf1: {  	p1 =	seq.s32 s29, $0x1;
	s12 =	sshll.u32 @!p0 s6, $0x7;
	s11 =	sand.u32 @!p0 $0x3FFFF800, s11  }
0xf2: {  	s14 =	simm.s32 @!p0 $0x3000;
	s11 =	sor.u32 @!p0 s12, s11;
	s12 =	simm.s32 @!p0 $0x80  }
0xf3: {  	[tilespmem:s14], [sflag:$0x1] =	stream.indirect.gather @!p0 [hbm4b:s1+s12], $0x80, s11, s12, $0xb8;
	[tilespmem:$0x1EDF8] =	vst v63  }
0xf4: {  	p0 =	por !p1, p3  }
0xf5: {  	s3 =	sshll.u32 @!p0 s3, $0xB  }
0xf6: {  	p2 =	sne.s32 s29, $0x0;
	s6 =	sshll.u32 @!p0 s6, $0x7;
	s3 =	sand.u32 @!p0 $0x3FFFF800, s3  }
0xf7: {  	s11 =	simm.s32 @!p0 $0x7000;
	s3 =	sor.u32 @!p0 s6, s3;
	s6 =	simm.s32 @!p0 $0x80  }
0xf8: {  	[tilespmem:s11], [sflag:$0x2] =	stream.indirect.gather @!p0 [hbm4b:s1+s6], $0x80, s3, s6, $0xb8;
	[tilespmem:$0x1EDF8] =	vst v63  }
0xf9: {  	s10 =	rddreg [dreg:$0xd];
	s3 =	simm.s32 @!p5 $0xFFFFFFFF;
	p0 =	por p2, p6  }
0xfa: {  	s3 =	sand.u32 @!p5 $0x1, s3;
	s12 =	simm.s32 @!p0 $0x0;
	s13 =	simm.s32 @!p0 $0x3000  }
0xfb: {  	[tilespmem:s13], [sflag:$0x1] =	stream.linear.gather @!p0 [hbm4b:s10+s12], $0x4000, $0x38;
	[tilespmem:$0x1EDF8] =	vst v63  }
0xfc: {  	p0 =	seq.s32 @!p5 s3, $0x1  }
0xfd: {  	s31 =	sand.u32 s0, s9;
	s18 =	simm.s32 @!p5 $0x2;
	p0 =	por !p0, p5  }
0xfe: {  	s12 =	simm.s32 @!p5 $0xFFFFFFF;
	s18 =	simm.s32 @p0 $0x1;
	p0 =	seq.s32 s31, $0x0  }
0xff: {  	s12 =	smulhi.u32 @!p5 $0x55555556, s12;
	s0 =	simm.s32 @!p0 $0x7000;
	s13 =	simm.s32 @!p0 $0x0  }
0x100: {  	[tilespmem:s0], [sflag:$0x2] =	stream.linear.gather @!p0 [hbm4b:s10+s13], $0x4000, $0x38;
	[tilespmem:$0x1EDF8] =	vst v63  }
0x101: {  	s11 =	simm.s32 $0xFFFF0000;
	s12 =	smul.u32 @!p5 $0x3, s12;
	p0 =	sne.s32 s2, $0x1  }
.Ltmp4:
0x102: {  	s11 =	sand.u32 @!p5 $0x10000, s11;
	(pc) =	sbr.rel @!p0 .LBB2_6-.Ltmp4, $4  }
0x103: {  	s6 =	simm.s32 $0xFFFFFE00;
	s3 =	simm.s32 $0x1;
	s17 =	sshrl.u32 @!p5 s11, $0x2  }
0x104: {  	s0 =	sand.u32 @!p5 $0x1E00, s6;
	s6 =	simm.s32 $0x0;
	s12 =	ssub.s32 @!p5 $0xFFFFFFF, s12  }
0x105: {  	s13 =	sshrl.u32 @!p5 s0, $0x2;
	s0 =	sadd.s32 $0x800, s10;
	s12 =	sshll.u32 @!p5 s12, $0xB  }
0x106: {  	_ =	swait.ge @!p5 [sflag:s18], $0x4000;
	s12 =	sor.u32 @!p5 s13, s12;
	s13 =	simm.s32 $0x0  }
.LBB2_5:
0x107: {  	[sflag:s18] =	ssyncset.done @!p5 $0x0;
	s19 =	simm.s32 @!p5 $0x80  }
0x108: {  	p0 =	por !p4, p5;
	s23 =	smov.u32 s3;
	s17 =	sor.u32 @!p5 $0x3000, s17  }
0x109: {  	s12 =	sadd.s32 @!p5 $0x1800, s12;
	s3 =	sadd.s32 $0x1, s3;
	[sflag:s18] =	ssyncadd.s32 @!p5 $0xFFFFC000  }
0x10a: {  	s18 =	simm.s32 @!p0 $0xB000;
	s25 =	sand.u32 s23, s9;
	s21 =	sshrl.u32 s23, $0x4  }
0x10b: {  	[spmem:s4] =	stream.indirect.scatter.add.f32 @!p5 [tilespmem:s17], [sflag:$0x3], $0x80, s12, s19, $0xb8;
	[tilespmem:$0x1EDF8] =	vst v63  }
0x10c: {  	s17 =	simm.s32 @!p0 $0x80;
	p5 =	seq.s32 s23, $0x0;
	p2 =	seq.s32 s25, $0x0  }
0x10d: {  	[spmem:s5] =	stream.indirect.scatter.add.f32 @!p0 [tilespmem:s18], [sflag:$0x4], $0x1, s12, s17, $0xb8;
	[tilespmem:$0x1EDF8] =	vst v63  }
0x10e: {  	s31 =	smulhi.u32 $0x55555556, s21;
	p0 =	sne.s32 s2, s3;
	s12 =	sand.u32 $0xF, s23  }
0x10f: {  	s17 =	simm.s32 @!p2 $0x7000;
	s18 =	sand.u32 $0x1, s23;
	s10 =	simm.s32 @!p0 $0x0  }
0x110: {  	p6 =	seq.s32 s18, $0x1;
	s26 =	sor.u32 s9, s18;
	s10 =	simm.s32 @p0 $0x1  }
0x111: {  	p0 =	slt.u32 s23, $0x2;
	p4 =	por !p6, p3;
	s23 =	sadd.s32 @!p5 $0xFFFFFFFF, s23  }
0x112: {  	p6 =	por p3, p3;
	[smem:$0x7F9] =	sst s10;
	s10 =	simm.s32 @!p2 $0x0  }
0x113: {  	p3 =	sne.s32 s26, $0x0;
	s26 =	smul.u32 $0x3, s31;
	s10 =	simm.s32 @p2 $0x1  }
0x114: {  	p1 =	seq.s32 @!p0 s9, $0x0;
	s22 =	simm.s32 @!p0 $0x3;
	[smem:$0x7F8] =	sst s10  }
0x115: {  	s20 =	sshrl.u32 @!p5 s23, $0x4;
	s23 =	sand.u32 @!p5 $0x1, s23;
	_ =	swait.ge @!p0 [sflag:s22], $0x4000  }
0x116: {  	p1 =	por p1, p0;
	p2 =	sne.s32 @!p5 s12, $0x0;
	[sflag:s22] =	ssyncset.done @!p0 $0x0  }
0x117: {  	s24 =	smulhi.u32 @!p5 $0x55555556, s20;
	s25 =	simm.s32 @!p1 $0x4;
	[sflag:s22] =	ssyncadd.s32 @!p0 $0xFFFFC000  }
0x118: {  	p0 =	por p2, p5;
	s22 =	sshll.u32 @!p4 s12, $0x7;
	s12 =	sshll.u32 @!p3 s12, $0x7  }
0x119: {  	_ =	swait.ge @!p1 [sflag:s25], $0x80;
	s28 =	sadd.s32 @!p0 $0x1, s21;
	s30 =	simm.s32 @!p0 $0x0  }
0x11a: {  	s21 =	ssub.s32 s21, s26;
	[sflag:s25] =	ssyncset.done @!p1 $0x0;
	s15 =	smulhi.u32 @!p0 $0x55555556, s28  }
0x11b: {  	[sflag:s25] =	ssyncadd.s32 @!p1 $0xFFFFFF80;
	p1 =	sne.s32 @!p0 s9, $0x0;
	s25 =	simm.s32 @!p0 $0x5  }
0x11c: {  	s26 =	simm.s32 @!p3 $0x3000;
	p1 =	por @!p5 p1, p2;
	_ =	swait.ge @!p0 [sflag:s25], $0x800  }
0x11d: {  	s15 =	smul.u32 @!p0 $0x3, s15;
	p2 =	seq.s32 @!p5 s23, $0x1;
	p1 =	por p1, p5  }
0x11e: {  	s23 =	smul.u32 @!p5 $0x3, s24;
	[sflag:s25] =	ssyncset.done @!p0 $0x0;
	s16 =	simm.s32 @!p1 $0x5  }
0x11f: {  	[sflag:s25] =	ssyncadd.s32 @!p0 $0xFFFFF800;
	s25 =	sshll.u32 @!p0 s28, $0xB;
	s10 =	simm.s32 @!p1 $0x0  }
0x120: {  	s15 =	ssub.s32 @!p0 s28, s15;
	s20 =	ssub.s32 @!p5 s20, s23;
	_ =	swait.ge @!p1 [sflag:s16], $0x800  }
0x121: {  	s15 =	sshll.u32 @!p0 s15, $0xB;
	s29 =	rddreg [dreg:$0x7];
	[sflag:s16] =	ssyncset.done @!p1 $0x0  }
0x122: {  	s24 =	sadd.s32 @!p0 $0x1800, s15;
	s28 =	sld [smem:$0x7FD];
	s25 =	sadd.s32 @!p0 s29, s25  }
0x123: {  	[sflag:s16] =	ssyncadd.s32 @!p1 $0xFFFFF800;
	s16 =	sshrl.u32 @!p0 s25, $0x3;
	s25 =	sshll.u32 @!p3 s21, $0xB  }
0x124: {  	s21 =	sshll.u32 @!p4 s21, $0xB;
	s23 =	sadd.s32 @!p0 s8, s16;
	s25 =	sand.u32 @!p3 $0x3FFFF800, s25  }
0x125: {  	[tilespmem:s24], [sflag:$0x5] =	stream.linear.gather @!p0 [hbm4b:s23+s30], $0x800, $0x38;
	[tilespmem:$0x1EDF8] =	vst v63  }
0x126: {  	s16 =	sadd.s32 @!p1 s7, s16;
	s21 =	sand.u32 @!p4 $0x3FFFF800, s21;
	s23 =	sor.u32 @!p3 s12, s25  }
0x127: {  	[tilespmem:s15], [sflag:$0x5] =	stream.linear.gather @!p1 [hbm4b:s16+s10], $0x800, $0x38;
	[tilespmem:$0x1EDF8] =	vst v63  }
0x128: {  	s24 =	simm.s32 @!p3 $0x80;
	s21 =	sor.u32 @!p4 s22, s21;
	s30 =	sld [smem:$0x7F8]  }
0x129: {  	[tilespmem:s26], [sflag:$0x1] =	stream.indirect.gather @!p3 [hbm4b:s1+s24], $0x80, s23, s24, $0xb8;
	[tilespmem:$0x1EDF8] =	vst v63  }
0x12a: {  	p1 =	sne.s32 s18, $0x0;
	p3 =	por p6, p6;
	p6 =	seq.s32 s28, $0x1  }
0x12b: {  	s10 =	simm.s32 @!p4 $0x80;
	s15 =	simm.s32 @!p4 $0x7000;
	p1 =	por p1, p6  }
0x12c: {  	[tilespmem:s15], [sflag:$0x2] =	stream.indirect.gather @!p4 [hbm4b:s1+s10], $0x80, s21, s10, $0xb8;
	[tilespmem:$0x1EDF8] =	vst v63  }
0x12d: {  	s11 =	smov.u32 s0;
	s10 =	simm.s32 @!p1 $0x0;
	s15 =	simm.s32 @!p1 $0x3000  }
0x12e: {  	[tilespmem:s15], [sflag:$0x1] =	stream.linear.gather @!p1 [hbm4b:s11+s10], $0x4000, $0x38;
	[tilespmem:$0x1EDF8] =	vst v63  }
0x12f: {  	p0 =	por !p2, p5;
	s18 =	simm.s32 @!p5 $0x2;
	p1 =	seq.s32 s30, $0x1  }
0x130: {  	s18 =	simm.s32 @p0 $0x1;
	s10 =	simm.s32 @!p1 $0x0  }
0x131: {  	[tilespmem:s17], [sflag:$0x2] =	stream.linear.gather @!p1 [hbm4b:s11+s10], $0x4000, $0x38;
	[tilespmem:$0x1EDF8] =	vst v63  }
0x132: {  	s29 =	sld [smem:$0x7FC];
	_ =	swait.ge @!p5 [sflag:s18], $0x4000  }
0x133: {  	s31 =	sld [smem:$0x7F9];
	_ =	sdelay $0x2  }
0x134: {  	p0 =	seq.s32 s31, $0x1  }
.Ltmp5:
0x135: {  	_ = 	snop;
	(pc) =	sbr.rel @p0 .LBB2_5-.Ltmp5, $4  }
0x136: {  	s14 =	smov.u32 s6;
	s6 =	sadd.s32 $0x10000, s6  }
0x137: {  	s0 =	sadd.s32 $0x800, s0;
	s19 =	sand.u32 @!p5 $0x1E00, s13;
	s14 =	sand.u32 @!p5 $0x10000, s14  }
0x138: {  	s13 =	sadd.s32 $0x200, s13;
	s19 =	sshrl.u32 @!p5 s19, $0x2;
	s20 =	sshll.u32 @!p5 s20, $0xB  }
0x139: {  	s12 =	sor.u32 @!p5 s19, s20;
	p4 =	seq.s32 s29, $0x1;
	s17 =	sshrl.u32 @!p5 s14, $0x2  }
.LBB2_6:
0x13a: {  	[sflag:s18] =	ssyncset.done @!p5 $0x0;
	s0 =	simm.s32 @!p5 $0x80  }
0x13b: {  	p0 =	por !p4, p5;
	s3 =	sor.u32 @!p5 $0x3000, s17;
	s23 =	rddreg [dreg:$0x8]  }
0x13c: {  	s6 =	sadd.s32 @!p5 $0x1800, s12;
	s13 =	rddreg [dreg:$0x12];
	[sflag:s18] =	ssyncadd.s32 @!p5 $0xFFFFC000  }
0x13d: {  	[spmem:s4] =	stream.indirect.scatter.add.f32 @!p5 [tilespmem:s3], [sflag:$0x3], $0x80, s6, s0, $0xb8;
	[tilespmem:$0x1EDF8] =	vst v63  }
0x13e: {  	s12 =	rddreg [dreg:$0x1a];
	s0 =	simm.s32 @!p0 $0x80;
	s3 =	simm.s32 @!p0 $0xB000  }
0x13f: {  	[spmem:s5] =	stream.indirect.scatter.add.f32 @!p0 [tilespmem:s3], [sflag:$0x4], $0x1, s6, s0, $0xb8;
	[tilespmem:$0x1EDF8] =	vst v63  }
.LBB2_7:
0x140: {  	s0 =	rddreg [dreg:$0xa]  }
0x141: {  	s0 =	sand.u32 $0xFFFF, s0  }
0x142: {  	p0 =	seq.s32 s0, $0x0  }
.Ltmp6:
0x143: {  	_ = 	snop;
	(pc) =	sbr.rel @p0 .LBB2_8-.Ltmp6, $1  }
0x144: {  	_ =	sdelay $0x3  }
0x145: {  	p0 =	sne.s32 s0, $0x1  }
.Ltmp7:
0x146: {  	_ = 	snop;
	(pc) =	sbr.rel @p0 .LBB2_12-.Ltmp7, $1  }
0x147: {  	_ =	sdelay $0x3  }
.Ltmp8:
0x148: {  	(pc) =	sbr.rel .LBB2_11-.Ltmp8, $2  }
0x149: {  	_ =	sdelay $0x2  }
0x14a: {  	s0 =	simm.s32 $0x2  }
.LBB2_13:
0x14b: {  	_ =	sfence.sel $0x180000  }
0x14c: {  	[bflag:$0x0] =	sbarrier.arrive $0xFFFF  }
0x14d: {  	_ =	strace $0x90000047  }
0x14e: {  	[bflag:$0x2] =	sbarrier.arrive $0xFFFF  }
0x14f: {  	p0 =	sne.s32 s10, $0x0;
	s0 =	rddreg [dreg:$0x6]  }
0x150: {  	s0 =	sadd.s32 @!p0 $0x100000, s0  }
0x151: {  	[sflag:s0] =	ssyncadd.tile.s32 @!p0 $0x1;
	_ =	shalt  }
.Lfunc_end2:
_tile_overlayer_lowered:
.L_overlay_start_2:
0x152: {  	(tag) =	ssettag $0x2  }
0x153: {  	s0 =	rddreg [dreg:$0x0];
	s2 =	stileid.u32  }
0x154: {  	s1 =	rddreg [dreg:$0x1];
	p0 =	sne.s32 s2, $0x0  }
0x155: {  	s3 =	rddreg [dreg:$0x2];
	[bflag:$0x3] =	sbarrier.arrive $0xFFFF;
	s2 =	simm.s32 @!p0 $0x1C06  }
0x156: {  	[timem:s3], [sflag:s2] =	dma.local @!p0 [hbm:s0], s1  }
0x157: {  	s0 =	simm.s32 @!p0 $0x6  }
0x158: {  	_ =	swait.ge @!p0 [sflag:s0], s1  }
0x159: {  	s1 =	ssub.s32 @!p0 $0x0, s1;
	[sflag:s0] =	ssyncset.done @!p0 $0x0  }
0x15a: {  	[sflag:s0] =	ssyncadd.s32 @!p0 s1  }
0x15b: {  	[bflag:$0x3] =	sbarrier.arrive $0xFFFF  }
0x15c: {  	_ =	shalt  }

</sc_bundles>
